<compile_context>
chip_gen: v7x
topology: tpu7x:2x2x1
jax: 0.10.2.dev20260603
libtpu: 0.0.44.dev20260713+nightly
codegen_flags: <defaults>
</compile_context>

<pallas_src>
import functools

import jax
import jax.numpy as jnp
import numpy as np
from jax import lax
from jax.experimental import pallas as pl
from jax.experimental.pallas import tpu as pltpu
from jax.experimental.pallas import tpu_sc as plsc

NC = 2
NS = 16
NW = NC * NS
LANES = 8

F32 = jnp.float32
BF16 = jnp.bfloat16


def _pack_bf16_pairs(v):
    k = v.shape[-1] // 2
    u = jax.lax.bitcast_convert_type(v, jnp.uint32)
    r = u + jnp.uint32(0x7FFF) + ((u >> 16) & jnp.uint32(1))
    lo = r[:, :k] >> 16
    hi = r[:, k:] & jnp.uint32(0xFFFF0000)
    return jax.lax.bitcast_convert_type(lo | hi, jnp.int32)


def _unpack_bf16_pairs(p):
    u = jax.lax.bitcast_convert_type(p, jnp.uint32)
    lo = jax.lax.bitcast_convert_type(u << 16, F32)
    hi = jax.lax.bitcast_convert_type(u & jnp.uint32(0xFFFF0000), F32)
    return jnp.concatenate([lo, hi], axis=-1)


def _pq_body(x_ref, wa_ref, wb_ref, p_ref, q_ref):
    x = x_ref[...]
    p_ref[...] = jnp.dot(x, wa_ref[...], preferred_element_type=F32)
    q_ref[...] = jnp.dot(x, wb_ref[...], preferred_element_type=F32)


def _make_pq(n_nodes, d_feat, filters, blk):
    grid = n_nodes // blk
    return pl.pallas_call(
        _pq_body,
        grid=(grid,),
        in_specs=[
            pl.BlockSpec((blk, d_feat), lambda i: (i, 0)),
            pl.BlockSpec((d_feat, filters), lambda i: (0, 0)),
            pl.BlockSpec((d_feat, filters), lambda i: (0, 0)),
        ],
        out_specs=[
            pl.BlockSpec((blk, filters), lambda i: (i, 0)),
            pl.BlockSpec((blk, filters), lambda i: (i, 0)),
        ],
        out_shape=[
            jax.ShapeDtypeStruct((n_nodes, filters), F32),
            jax.ShapeDtypeStruct((n_nodes, filters), F32),
        ],
    )


def _gather_body(chunk, n_chunks, p_hbm, q_hbm, src_hbm, dst_hbm,
                 s_hbm, isv, idv, av0, bv0, ov0, av1, bv1, ov1,
                 semg0, semg1, semo0, semo1):
    wid = lax.axis_index("s") * NC + lax.axis_index("c")
    per_w = n_chunks // NW
    edge0 = wid * per_w * chunk

    pltpu.sync_copy(src_hbm.at[pl.ds(edge0, per_w * chunk)], isv)
    pltpu.sync_copy(dst_hbm.at[pl.ds(edge0, per_w * chunk)], idv)

    sets = ((av0, bv0, ov0, semg0, semo0), (av1, bv1, ov1, semg1, semo1))

    def fire(k, s):
        av, bv, _, semg, _ = s
        ix = isv.at[pl.ds(k * chunk, chunk)]
        iy = idv.at[pl.ds(k * chunk, chunk)]
        pltpu.async_copy(p_hbm.at[ix], av, semg)
        pltpu.async_copy(q_hbm.at[iy], bv, semg)

    def wait_gather(k, s):
        av, bv, _, semg, _ = s
        ix = isv.at[pl.ds(k * chunk, chunk)]
        iy = idv.at[pl.ds(k * chunk, chunk)]
        pltpu.make_async_copy(p_hbm.at[ix], av, semg).wait()
        pltpu.make_async_copy(q_hbm.at[iy], bv, semg).wait()

    def wait_out(k, s):
        _, _, ov, _, semo = s
        pltpu.make_async_copy(
            ov, s_hbm.at[pl.ds(edge0 + k * chunk, chunk)], semo).wait()

    def step(k, s, last):
        av, bv, ov, _, semo = s
        wait_gather(k, s)
        pl.when(k >= 2)(lambda: wait_out(k - 2, s))

        def add_row(i, _):
            for j in range(LANES):
                sl = pl.ds(j * 16, 16)
                ov[i, sl] = av[i, sl] + bv[i, sl]
            return 0

        lax.fori_loop(0, chunk, add_row, 0)
        pltpu.async_copy(ov, s_hbm.at[pl.ds(edge0 + k * chunk, chunk)], semo)
        if not last:
            pl.when(k + 2 < per_w)(lambda: fire(k + 2, s))

    fire(0, sets[0])
    fire(1, sets[1])

    def pair(g, _):
        step(2 * g, sets[0], False)
        step(2 * g + 1, sets[1], False)
        return 0

    lax.fori_loop(0, per_w // 2, pair, 0)
    step(jnp.int32(per_w - 1), sets[0], True)
    wait_out(jnp.int32(per_w - 1), sets[0])
    wait_out(jnp.int32(per_w - 2), sets[1])


def _make_gather(n_nodes, filters, n_edges, chunk):
    n_chunks = n_edges // chunk
    per_w = n_chunks // NW
    mesh = plsc.VectorSubcoreMesh(
        core_axis_name="c", subcore_axis_name="s",
        num_cores=NC, num_subcores=NS)
    buf = lambda: pltpu.VMEM((chunk, filters), F32)
    return pl.kernel(
        functools.partial(_gather_body, chunk, n_chunks),
        out_type=jax.ShapeDtypeStruct((n_edges, filters), F32),
        mesh=mesh,
        scratch_types=[
            pltpu.VMEM((per_w * chunk,), jnp.int32),
            pltpu.VMEM((per_w * chunk,), jnp.int32),
            buf(), buf(), buf(), buf(), buf(), buf(),
            pltpu.SemaphoreType.DMA,
            pltpu.SemaphoreType.DMA,
            pltpu.SemaphoreType.DMA,
            pltpu.SemaphoreType.DMA,
        ],
    )


def _leaky(h):
    return jnp.where(h > 0, h, 0.01 * h)


def _mlp_body(s_ref, e_ref, w1c_ref, b1_ref, w2_ref, b2_ref,
              w3_ref, b3_ref, w4_ref, b4_ref, m_ref):
    h = (s_ref[...]
         + jnp.dot(e_ref[...], w1c_ref[...], preferred_element_type=F32)
         + b1_ref[...])
    h = _leaky(h).astype(BF16)
    h = _leaky(jnp.dot(h, w2_ref[...], preferred_element_type=F32)
               + b2_ref[...]).astype(BF16)
    h = _leaky(jnp.dot(h, w3_ref[...], preferred_element_type=F32)
               + b3_ref[...]).astype(BF16)
    m_ref[...] = jnp.dot(h, w4_ref[...],
                         preferred_element_type=F32) + b4_ref[...]


def _make_mlp(n_edges, d_edge, filters, out_dim, blk):
    grid = n_edges // blk
    full = lambda r, c: pl.BlockSpec((r, c), lambda i: (0, 0))
    return pl.pallas_call(
        _mlp_body,
        grid=(grid,),
        in_specs=[
            pl.BlockSpec((blk, filters), lambda i: (i, 0)),
            pl.BlockSpec((blk, d_edge), lambda i: (i, 0)),
            full(d_edge, filters),
            full(1, filters),
            full(filters, filters),
            full(1, filters),
            full(filters, filters),
            full(1, filters),
            full(filters, out_dim),
            full(1, out_dim),
        ],
        out_specs=pl.BlockSpec((blk, out_dim), lambda i: (i, 0)),
        out_shape=jax.ShapeDtypeStruct((n_edges, out_dim), F32),
    )


def _scatter_body(chunk, n_nodes, out_dim, n_chunks, m_hbm, dst2d_hbm,
                  part_hbm, idv, mv0, mv1, zv, acc_shared, sem0, sem1):
    cid = lax.axis_index("c")
    sid = lax.axis_index("s")
    wid = sid * NC + cid
    per_w = n_chunks // NW
    edge0 = wid * per_w * chunk
    n_blocks = n_nodes // 80

    def zero_row(i, _):
        for j in range(out_dim // 16):
            zv[i, pl.ds(j * 16, 16)] = jnp.zeros((16,), F32)
        return 0

    lax.fori_loop(0, 80, zero_row, 0)

    for j in range((n_blocks + NS - 1) // NS):
        b = sid + j * NS

        @pl.when(b < n_blocks)
        def _():
            pltpu.sync_copy(zv, acc_shared.at[pl.ds(b * 80, 80)])

    plsc.subcore_barrier()

    pltpu.sync_copy(dst2d_hbm.at[wid], idv)

    sets = ((mv0, sem0), (mv1, sem1))

    def fire(k, s):
        mv, sem = s
        pltpu.async_copy(m_hbm.at[pl.ds(edge0 + k * chunk, chunk)], mv, sem)

    def step(k, s, last):
        mv, sem = s
        pltpu.make_async_copy(
            m_hbm.at[pl.ds(edge0 + k * chunk, chunk)], mv, sem).wait()
        pltpu.sync_copy(mv, acc_shared.at[idv.at[k]], add=True)
        if not last:
            pl.when(k + 2 < per_w)(lambda: fire(k + 2, s))

    fire(0, sets[0])
    fire(1, sets[1])

    def pair(g, _):
        step(2 * g, sets[0], False)
        step(2 * g + 1, sets[1], False)
        return 0

    lax.fori_loop(0, per_w // 2, pair, 0)
    step(jnp.int32(per_w - 1), sets[0], True)
    plsc.subcore_barrier()
    for j in range((n_blocks + NS - 1) // NS):
        b = sid + j * NS

        @pl.when(b < n_blocks)
        def _():
            pltpu.sync_copy(acc_shared.at[pl.ds(b * 80, 80)],
                            part_hbm.at[cid, pl.ds(b * 80, 80)])


def _make_scatter(n_nodes, out_dim, n_edges, chunk):
    n_chunks = n_edges // chunk
    per_w = n_chunks // NW
    mesh = plsc.VectorSubcoreMesh(
        core_axis_name="c", subcore_axis_name="s",
        num_cores=NC, num_subcores=NS)
    return pl.kernel(
        functools.partial(_scatter_body, chunk, n_nodes, out_dim, n_chunks),
        out_type=jax.ShapeDtypeStruct((NC, n_nodes, out_dim), F32),
        mesh=mesh,
        scratch_types=[
            pltpu.VMEM((per_w, chunk), jnp.int32),
            pltpu.VMEM((chunk, out_dim), F32),
            pltpu.VMEM((chunk, out_dim), F32),
            pltpu.VMEM((80, out_dim), F32),
            pltpu.VMEM_SHARED((n_nodes, out_dim), F32),
            pltpu.SemaphoreType.DMA,
            pltpu.SemaphoreType.DMA,
        ],
    )


def _combine_body(p_ref, o_ref):
    o_ref[...] = p_ref[0] + p_ref[1]


def _make_combine(n_nodes, out_dim, blk):
    return pl.pallas_call(
        _combine_body,
        grid=(n_nodes // blk,),
        in_specs=[pl.BlockSpec((NC, blk, out_dim), lambda i: (0, i, 0))],
        out_specs=pl.BlockSpec((blk, out_dim), lambda i: (i, 0)),
        out_shape=jax.ShapeDtypeStruct((n_nodes, out_dim), F32),
    )


def kernel(x, edge_index, edge_attr, W1, b1, W2, b2, W3, b3, W4, b4):
    n_nodes, d_feat = x.shape
    n_edges = edge_index.shape[1]
    d_edge = edge_attr.shape[1]
    filters = W2.shape[0]
    out_dim = W4.shape[1]

    idx = edge_index.astype(jnp.int32)
    src = idx[0]
    dst = idx[1]
    w1a = W1[:d_feat]
    w1b = W1[d_feat:2 * d_feat]
    w1c = W1[2 * d_feat:]

    blk = 2000
    p, q = _make_pq(n_nodes, d_feat, filters, blk=blk)(x, w1a, w1b)
    s = _make_gather(n_nodes, filters, n_edges, chunk=80)(p, q, src, dst)
    m = _make_mlp(n_edges, d_edge, filters, out_dim, blk=blk)(
        s, edge_attr, w1c, b1.reshape(1, -1),
        W2.astype(BF16), b2.reshape(1, -1),
        W3.astype(BF16), b3.reshape(1, -1),
        W4.astype(BF16), b4.reshape(1, -1))
    dst2d = dst.reshape(NW, n_edges // (NW * 80), 80)
    part = _make_scatter(n_nodes, out_dim, n_edges, chunk=80)(m, dst2d)
    out = _make_combine(n_nodes, out_dim, blk=2000)(part)
    return out

# --- scband reference (transcript-rebuilt; emitter-appended) ---
"""Pipeline reference for scband-mpconv-21483426414655 (READ-ONLY COPY).

The authoritative reference and input builder live on the scoring server;
editing this copy changes nothing except your own understanding.
"""

import jax, jax.numpy as jnp
import numpy as np

N_NODES = 10000
N_EDGES = 320000
D_FEAT = 128
D_EDGE = 16
FILTERS = 128
IN_DIM = D_FEAT * 2 + D_EDGE  # 272
OUT_DIM = 128


def _glorot(key, fan_in, fan_out):
    lim = np.sqrt(6.0 / (fan_in + fan_out))
    return jax.random.uniform(key, (fan_in, fan_out), dtype=jnp.float32, minval=-lim, maxval=lim)


def setup_inputs(seed: int = 0) -> dict:
    key = jax.random.key(seed)
    ks = jax.random.split(key, 12)
    x = jax.random.normal(ks[0], (N_NODES, D_FEAT), dtype=jnp.float32)
    edge_index = jax.random.randint(ks[1], (2, N_EDGES), 0, N_NODES, dtype=jnp.int64)
    edge_attr = jax.random.normal(ks[2], (N_EDGES, D_EDGE), dtype=jnp.float32)
    W1 = _glorot(ks[3], IN_DIM, FILTERS)
    b1 = jnp.zeros((FILTERS,), dtype=jnp.float32)
    W2 = _glorot(ks[4], FILTERS, FILTERS)
    b2 = jnp.zeros((FILTERS,), dtype=jnp.float32)
    W3 = _glorot(ks[5], FILTERS, FILTERS)
    b3 = jnp.zeros((FILTERS,), dtype=jnp.float32)
    W4 = _glorot(ks[6], FILTERS, OUT_DIM)
    b4 = jnp.zeros((OUT_DIM,), dtype=jnp.float32)
    return {"x": x, "edge_index": edge_index, "edge_attr": edge_attr,
            "W1": W1, "b1": b1, "W2": W2, "b2": b2,
            "W3": W3, "b3": b3, "W4": W4, "b4": b4}


def reference(x, edge_index, edge_attr, W1, b1, W2, b2, W3, b3, W4, b4):
    # gather endpoint features (SparseCore gather)
    src = jnp.take(x, edge_index[0], axis=0)
    dst = jnp.take(x, edge_index[1], axis=0)
    h = jnp.concatenate([src, dst, edge_attr], axis=-1)
    # 4-layer MLP (layers=4, filters=128, leaky relu, no norm, dropout=0)
    h = jax.nn.leaky_relu(h @ W1 + b1, negative_slope=0.01)
    h = jax.nn.leaky_relu(h @ W2 + b2, negative_slope=0.01)
    h = jax.nn.leaky_relu(h @ W3 + b3, negative_slope=0.01)
    m = h @ W4 + b4
    # scatter-add messages to dst nodes (SparseCore scatter-add)
    out = jax.ops.segment_sum(m, edge_index[1], num_segments=x.shape[0])
    return out

if __name__ == "__main__":
    import jax
    _d = setup_inputs()
    print(jax.jit(kernel)(*tuple(_d.values())))

</pallas_src>

<mosaic_0001>
#map = affine_map<(d0, d1) -> (0, 0)>
#map1 = affine_map<(d0, d1) -> (0)>
module attributes {stable_mosaic.version = 14 : i64} {
  func.func @_gather_body(%arg0: i32, %arg1: i32, %arg2: memref<10000x128xf32, #tpu.memory_space<hbm>>, %arg3: memref<10000x128xf32, #tpu.memory_space<hbm>>, %arg4: memref<320000xi32, #tpu.memory_space<hbm>>, %arg5: memref<320000xi32, #tpu.memory_space<hbm>>, %arg6: memref<320000x128xf32, #tpu.memory_space<hbm>>, %arg7: memref<10000xi32, #tpu.memory_space<vmem>>, %arg8: memref<10000xi32, #tpu.memory_space<vmem>>, %arg9: memref<80x128xf32, #tpu.memory_space<vmem>>, %arg10: memref<80x128xf32, #tpu.memory_space<vmem>>, %arg11: memref<80x128xf32, #tpu.memory_space<vmem>>, %arg12: memref<80x128xf32, #tpu.memory_space<vmem>>, %arg13: memref<80x128xf32, #tpu.memory_space<vmem>>, %arg14: memref<80x128xf32, #tpu.memory_space<vmem>>, %arg15: memref<!tpu.dma_semaphore, #tpu.memory_space<semaphore_mem>>, %arg16: memref<!tpu.dma_semaphore, #tpu.memory_space<semaphore_mem>>, %arg17: memref<!tpu.dma_semaphore, #tpu.memory_space<semaphore_mem>>, %arg18: memref<!tpu.dma_semaphore, #tpu.memory_space<semaphore_mem>>) attributes {dimension_semantics = [#tpu.dimension_semantics<core_parallel>, #tpu.dimension_semantics<subcore_parallel>], iteration_bounds = array<i64: 2, 16>, scalar_prefetch = 0 : i64, scratch_operands = 12 : i64, tpu.core_type = #tpu.core_type<sc_vector_subcore>, window_params = [{transform_indices = #map}, {transform_indices = #map}, {transform_indices = #map1}, {transform_indices = #map1}, {transform_indices = #map}]} {
    %mul3A = arith.constant 2 : i32
    %mul3A_0 = arith.muli %arg1, %mul3A : i32
    %add3A = arith.addi %mul3A_0, %arg0 : i32
    %mul3A_1 = arith.constant 125 : i32
    %mul3A_2 = arith.muli %add3A, %mul3A_1 : i32
    %mul3A_3 = arith.constant 80 : i32
    %mul3A_4 = arith.muli %mul3A_2, %mul3A_3 : i32
    "tpu.region"() ({
      %run_scoped3A = tpu.sem_alloc : memref<!tpu.dma_semaphore, #tpu.memory_space<semaphore_mem>>
      %dma_start3A_78 = tpu.memref_slice %arg4[%mul3A_4] : memref<320000xi32, #tpu.memory_space<hbm>> -> memref<10000xi32, #tpu.memory_space<hbm>>
      %dma_start3A_79 = tpu.memref_slice %arg4[%mul3A_4] : memref<320000xi32, #tpu.memory_space<hbm>> -> memref<10000xi32, #tpu.memory_space<hbm>>
      tpu.enqueue_dma source(%dma_start3A_79 : memref<10000xi32, #tpu.memory_space<hbm>>) target(%arg7 : memref<10000xi32, #tpu.memory_space<vmem>>) target_semaphore(%run_scoped3A : memref<!tpu.dma_semaphore, #tpu.memory_space<semaphore_mem>>)
      %dma_wait3A_80 = tpu.memref_slice %arg4[%mul3A_4] : memref<320000xi32, #tpu.memory_space<hbm>> -> memref<10000xi32, #tpu.memory_space<hbm>>
      %dma_wait3A_81 = tpu.memref_slice %arg4[%mul3A_4] : memref<320000xi32, #tpu.memory_space<hbm>> -> memref<10000xi32, #tpu.memory_space<hbm>>
      tpu.wait_dma2 semaphore(%run_scoped3A : memref<!tpu.dma_semaphore, #tpu.memory_space<semaphore_mem>>) src(%dma_wait3A_81 : memref<10000xi32, #tpu.memory_space<hbm>>) dst(%arg7 : memref<10000xi32, #tpu.memory_space<vmem>>)
      tpu.yield
    }) : () -> ()
    "tpu.region"() ({
      %run_scoped3A = tpu.sem_alloc : memref<!tpu.dma_semaphore, #tpu.memory_space<semaphore_mem>>
      %dma_start3A_78 = tpu.memref_slice %arg5[%mul3A_4] : memref<320000xi32, #tpu.memory_space<hbm>> -> memref<10000xi32, #tpu.memory_space<hbm>>
      %dma_start3A_79 = tpu.memref_slice %arg5[%mul3A_4] : memref<320000xi32, #tpu.memory_space<hbm>> -> memref<10000xi32, #tpu.memory_space<hbm>>
      tpu.enqueue_dma source(%dma_start3A_79 : memref<10000xi32, #tpu.memory_space<hbm>>) target(%arg8 : memref<10000xi32, #tpu.memory_space<vmem>>) target_semaphore(%run_scoped3A : memref<!tpu.dma_semaphore, #tpu.memory_space<semaphore_mem>>)
      %dma_wait3A_80 = tpu.memref_slice %arg5[%mul3A_4] : memref<320000xi32, #tpu.memory_space<hbm>> -> memref<10000xi32, #tpu.memory_space<hbm>>
      %dma_wait3A_81 = tpu.memref_slice %arg5[%mul3A_4] : memref<320000xi32, #tpu.memory_space<hbm>> -> memref<10000xi32, #tpu.memory_space<hbm>>
      tpu.wait_dma2 semaphore(%run_scoped3A : memref<!tpu.dma_semaphore, #tpu.memory_space<semaphore_mem>>) src(%dma_wait3A_81 : memref<10000xi32, #tpu.memory_space<hbm>>) dst(%arg8 : memref<10000xi32, #tpu.memory_space<vmem>>)
      tpu.yield
    }) : () -> ()
    %dma_start3A = arith.constant 0 : i32
    %dma_start3A_5 = tpu.memref_slice %arg7[%dma_start3A] : memref<10000xi32, #tpu.memory_space<vmem>> -> memref<80xi32, #tpu.memory_space<vmem>>
    %dma_start3A_6 = arith.constant 0 : i32
    %dma_start3A_7 = arith.constant 0 : i32
    %dma_start3A_8 = tpu.memref_slice %arg2[%dma_start3A_6, %dma_start3A_7] : memref<10000x128xf32, #tpu.memory_space<hbm>> -> memref<10000x128xf32, #tpu.memory_space<hbm>>
    tpu.enqueue_indirect_dma source(%dma_start3A_8 : memref<10000x128xf32, #tpu.memory_space<hbm>>) target(%arg9 : memref<80x128xf32, #tpu.memory_space<vmem>>) offsets(%dma_start3A_5 : memref<80xi32, #tpu.memory_space<vmem>>) semaphore(%arg15 : memref<!tpu.dma_semaphore, #tpu.memory_space<semaphore_mem>>)
    %dma_start3A_9 = arith.constant 0 : i32
    %dma_start3A_10 = tpu.memref_slice %arg8[%dma_start3A_9] : memref<10000xi32, #tpu.memory_space<vmem>> -> memref<80xi32, #tpu.memory_space<vmem>>
    %dma_start3A_11 = arith.constant 0 : i32
    %dma_start3A_12 = arith.constant 0 : i32
    %dma_start3A_13 = tpu.memref_slice %arg3[%dma_start3A_11, %dma_start3A_12] : memref<10000x128xf32, #tpu.memory_space<hbm>> -> memref<10000x128xf32, #tpu.memory_space<hbm>>
    tpu.enqueue_indirect_dma source(%dma_start3A_13 : memref<10000x128xf32, #tpu.memory_space<hbm>>) target(%arg10 : memref<80x128xf32, #tpu.memory_space<vmem>>) offsets(%dma_start3A_10 : memref<80xi32, #tpu.memory_space<vmem>>) semaphore(%arg15 : memref<!tpu.dma_semaphore, #tpu.memory_space<semaphore_mem>>)
    %dma_start3A_14 = arith.constant 80 : i32
    %dma_start3A_15 = tpu.memref_slice %arg7[%dma_start3A_14] : memref<10000xi32, #tpu.memory_space<vmem>> -> memref<80xi32, #tpu.memory_space<vmem>>
    %dma_start3A_16 = arith.constant 0 : i32
    %dma_start3A_17 = arith.constant 0 : i32
    %dma_start3A_18 = tpu.memref_slice %arg2[%dma_start3A_16, %dma_start3A_17] : memref<10000x128xf32, #tpu.memory_space<hbm>> -> memref<10000x128xf32, #tpu.memory_space<hbm>>
    tpu.enqueue_indirect_dma source(%dma_start3A_18 : memref<10000x128xf32, #tpu.memory_space<hbm>>) target(%arg12 : memref<80x128xf32, #tpu.memory_space<vmem>>) offsets(%dma_start3A_15 : memref<80xi32, #tpu.memory_space<vmem>>) semaphore(%arg16 : memref<!tpu.dma_semaphore, #tpu.memory_space<semaphore_mem>>)
    %dma_start3A_19 = arith.constant 80 : i32
    %dma_start3A_20 = tpu.memref_slice %arg8[%dma_start3A_19] : memref<10000xi32, #tpu.memory_space<vmem>> -> memref<80xi32, #tpu.memory_space<vmem>>
    %dma_start3A_21 = arith.constant 0 : i32
    %dma_start3A_22 = arith.constant 0 : i32
    %dma_start3A_23 = tpu.memref_slice %arg3[%dma_start3A_21, %dma_start3A_22] : memref<10000x128xf32, #tpu.memory_space<hbm>> -> memref<10000x128xf32, #tpu.memory_space<hbm>>
    tpu.enqueue_indirect_dma source(%dma_start3A_23 : memref<10000x128xf32, #tpu.memory_space<hbm>>) target(%arg13 : memref<80x128xf32, #tpu.memory_space<vmem>>) offsets(%dma_start3A_20 : memref<80xi32, #tpu.memory_space<vmem>>) semaphore(%arg16 : memref<!tpu.dma_semaphore, #tpu.memory_space<semaphore_mem>>)
    %scan3A = arith.constant 0 : i32
    %scan3A_24 = arith.constant 0 : i32
    %scan3A_25 = arith.constant 62 : i32
    %scan3A_26 = arith.addi %scan3A_24, %scan3A_25 : i32
    %scan3A_27 = arith.constant 1 : i32
    %scan3A_28 = scf.for %scan3A_78 = %scan3A_24 to %scan3A_26 step %scan3A_27 iter_args(%scan3A_79 = %scan3A) -> (i32)  : i32 {
      %mul3A_80 = arith.constant 2 : i32
      %mul3A_81 = arith.muli %mul3A_80, %scan3A_78 : i32
      %mul3A_82 = arith.constant 80 : i32
      %mul3A_83 = arith.muli %mul3A_81, %mul3A_82 : i32
      %mul3A_84 = arith.constant 80 : i32
      %mul3A_85 = arith.muli %mul3A_81, %mul3A_84 : i32
      %dma_wait3A_86 = tpu.memref_slice %arg7[%mul3A_83] : memref<10000xi32, #tpu.memory_space<vmem>> -> memref<80xi32, #tpu.memory_space<vmem>>
      %dma_wait3A_87 = arith.constant 0 : i32
      %dma_wait3A_88 = arith.constant 0 : i32
      %dma_wait3A_89 = tpu.memref_slice %arg2[%dma_wait3A_87, %dma_wait3A_88] : memref<10000x128xf32, #tpu.memory_space<hbm>> -> memref<10000x128xf32, #tpu.memory_space<hbm>>
      tpu.wait_indirect_dma semaphore(%arg15 : memref<!tpu.dma_semaphore, #tpu.memory_space<semaphore_mem>>) src(%dma_wait3A_89 : memref<10000x128xf32, #tpu.memory_space<hbm>>) dst(%arg9 : memref<80x128xf32, #tpu.memory_space<vmem>>)
      %dma_wait3A_90 = tpu.memref_slice %arg8[%mul3A_85] : memref<10000xi32, #tpu.memory_space<vmem>> -> memref<80xi32, #tpu.memory_space<vmem>>
      %dma_wait3A_91 = arith.constant 0 : i32
      %dma_wait3A_92 = arith.constant 0 : i32
      %dma_wait3A_93 = tpu.memref_slice %arg3[%dma_wait3A_91, %dma_wait3A_92] : memref<10000x128xf32, #tpu.memory_space<hbm>> -> memref<10000x128xf32, #tpu.memory_space<hbm>>
      tpu.wait_indirect_dma semaphore(%arg15 : memref<!tpu.dma_semaphore, #tpu.memory_space<semaphore_mem>>) src(%dma_wait3A_93 : memref<10000x128xf32, #tpu.memory_space<hbm>>) dst(%arg10 : memref<80x128xf32, #tpu.memory_space<vmem>>)
      %ge3A_94 = arith.constant 2 : i32
      %ge3A_95 = arith.cmpi sge, %mul3A_81, %ge3A_94 : i32
      %convert_element_type3A_96 = arith.extui %ge3A_95 : i1 to i32
      %cond3A_97 = arith.constant 0 : i32
      %cond3A_98 = arith.cmpi ne, %convert_element_type3A_96, %cond3A_97 : i32
      scf.if %cond3A_98 {
        %sub3A = arith.constant 2 : i32
        %sub3A_162 = arith.subi %mul3A_81, %sub3A : i32
        %mul3A_163 = arith.constant 80 : i32
        %mul3A_164 = arith.muli %sub3A_162, %mul3A_163 : i32
        %add3A_165 = arith.addi %mul3A_4, %mul3A_164 : i32
        %dma_wait3A_166 = arith.constant 0 : i32
        %dma_wait3A_167 = tpu.memref_slice %arg6[%add3A_165, %dma_wait3A_166] : memref<320000x128xf32, #tpu.memory_space<hbm>> -> memref<80x128xf32, #tpu.memory_space<hbm>>
        %dma_wait3A_168 = arith.constant 0 : i32
        %dma_wait3A_169 = tpu.memref_slice %arg6[%add3A_165, %dma_wait3A_168] : memref<320000x128xf32, #tpu.memory_space<hbm>> -> memref<80x128xf32, #tpu.memory_space<hbm>>
        tpu.wait_dma2 semaphore(%arg17 : memref<!tpu.dma_semaphore, #tpu.memory_space<semaphore_mem>>) src(%arg11 : memref<80x128xf32, #tpu.memory_space<vmem>>) dst(%dma_wait3A_169 : memref<80x128xf32, #tpu.memory_space<hbm>>)
      } else {
      }
      %scan3A_99 = arith.constant 0 : i32
      %scan3A_100 = arith.constant 0 : i32
      %scan3A_101 = arith.constant 80 : i32
      %scan3A_102 = arith.addi %scan3A_100, %scan3A_101 : i32
      %scan3A_103 = arith.constant 1 : i32
      %scan3A_104 = scf.for %scan3A_162 = %scan3A_100 to %scan3A_102 step %scan3A_103 iter_args(%scan3A_163 = %scan3A_99) -> (i32)  : i32 {
        %get3A = arith.index_cast %scan3A_162 : i32 to index
        %get3A_164 = arith.constant 0 : index
        %get3A_165 = tpu.vector_load %arg9[%get3A, %get3A_164] {strides = array<i32>} : memref<80x128xf32, #tpu.memory_space<vmem>>, vector<1x16xf32>,
        %get3A_166 = vector.shape_cast %get3A_165 : vector<1x16xf32> to vector<16xf32>
        %get3A_167 = arith.index_cast %scan3A_162 : i32 to index
        %get3A_168 = arith.constant 0 : index
        %get3A_169 = tpu.vector_load %arg10[%get3A_167, %get3A_168] {strides = array<i32>} : memref<80x128xf32, #tpu.memory_space<vmem>>, vector<1x16xf32>,
        %get3A_170 = vector.shape_cast %get3A_169 : vector<1x16xf32> to vector<16xf32>
        %add3A_171 = arith.addf %get3A_166, %get3A_170 : vector<16xf32>
        %swap3A = arith.index_cast %scan3A_162 : i32 to index
        %swap3A_172 = arith.constant 0 : index
        %swap3A_173 = tpu.vector_load %arg11[%swap3A, %swap3A_172] {strides = array<i32>} : memref<80x128xf32, #tpu.memory_space<vmem>>, vector<1x16xf32>,
        %swap3A_174 = vector.shape_cast %swap3A_173 : vector<1x16xf32> to vector<16xf32>
        %swap3A_175 = vector.shape_cast %add3A_171 : vector<16xf32> to vector<1x16xf32>
        tpu.vector_store %arg11[%swap3A, %swap3A_172], %swap3A_175 {strides = array<i32>} : memref<80x128xf32, #tpu.memory_space<vmem>>, vector<1x16xf32>,
        %get3A_176 = arith.index_cast %scan3A_162 : i32 to index
        %get3A_177 = arith.constant 16 : index
        %get3A_178 = tpu.vector_load %arg9[%get3A_176, %get3A_177] {strides = array<i32>} : memref<80x128xf32, #tpu.memory_space<vmem>>, vector<1x16xf32>,
        %get3A_179 = vector.shape_cast %get3A_178 : vector<1x16xf32> to vector<16xf32>
        %get3A_180 = arith.index_cast %scan3A_162 : i32 to index
        %get3A_181 = arith.constant 16 : index
        %get3A_182 = tpu.vector_load %arg10[%get3A_180, %get3A_181] {strides = array<i32>} : memref<80x128xf32, #tpu.memory_space<vmem>>, vector<1x16xf32>,
        %get3A_183 = vector.shape_cast %get3A_182 : vector<1x16xf32> to vector<16xf32>
        %add3A_184 = arith.addf %get3A_179, %get3A_183 : vector<16xf32>
        %swap3A_185 = arith.index_cast %scan3A_162 : i32 to index
        %swap3A_186 = arith.constant 16 : index
        %swap3A_187 = tpu.vector_load %arg11[%swap3A_185, %swap3A_186] {strides = array<i32>} : memref<80x128xf32, #tpu.memory_space<vmem>>, vector<1x16xf32>,
        %swap3A_188 = vector.shape_cast %swap3A_187 : vector<1x16xf32> to vector<16xf32>
        %swap3A_189 = vector.shape_cast %add3A_184 : vector<16xf32> to vector<1x16xf32>
        tpu.vector_store %arg11[%swap3A_185, %swap3A_186], %swap3A_189 {strides = array<i32>} : memref<80x128xf32, #tpu.memory_space<vmem>>, vector<1x16xf32>,
        %get3A_190 = arith.index_cast %scan3A_162 : i32 to index
        %get3A_191 = arith.constant 32 : index
        %get3A_192 = tpu.vector_load %arg9[%get3A_190, %get3A_191] {strides = array<i32>} : memref<80x128xf32, #tpu.memory_space<vmem>>, vector<1x16xf32>,
        %get3A_193 = vector.shape_cast %get3A_192 : vector<1x16xf32> to vector<16xf32>
        %get3A_194 = arith.index_cast %scan3A_162 : i32 to index
        %get3A_195 = arith.constant 32 : index
        %get3A_196 = tpu.vector_load %arg10[%get3A_194, %get3A_195] {strides = array<i32>} : memref<80x128xf32, #tpu.memory_space<vmem>>, vector<1x16xf32>,
        %get3A_197 = vector.shape_cast %get3A_196 : vector<1x16xf32> to vector<16xf32>
        %add3A_198 = arith.addf %get3A_193, %get3A_197 : vector<16xf32>
        %swap3A_199 = arith.index_cast %scan3A_162 : i32 to index
        %swap3A_200 = arith.constant 32 : index
        %swap3A_201 = tpu.vector_load %arg11[%swap3A_199, %swap3A_200] {strides = array<i32>} : memref<80x128xf32, #tpu.memory_space<vmem>>, vector<1x16xf32>,
        %swap3A_202 = vector.shape_cast %swap3A_201 : vector<1x16xf32> to vector<16xf32>
        %swap3A_203 = vector.shape_cast %add3A_198 : vector<16xf32> to vector<1x16xf32>
        tpu.vector_store %arg11[%swap3A_199, %swap3A_200], %swap3A_203 {strides = array<i32>} : memref<80x128xf32, #tpu.memory_space<vmem>>, vector<1x16xf32>,
        %get3A_204 = arith.index_cast %scan3A_162 : i32 to index
        %get3A_205 = arith.constant 48 : index
        %get3A_206 = tpu.vector_load %arg9[%get3A_204, %get3A_205] {strides = array<i32>} : memref<80x128xf32, #tpu.memory_space<vmem>>, vector<1x16xf32>,
        %get3A_207 = vector.shape_cast %get3A_206 : vector<1x16xf32> to vector<16xf32>
        %get3A_208 = arith.index_cast %scan3A_162 : i32 to index
        %get3A_209 = arith.constant 48 : index
        %get3A_210 = tpu.vector_load %arg10[%get3A_208, %get3A_209] {strides = array<i32>} : memref<80x128xf32, #tpu.memory_space<vmem>>, vector<1x16xf32>,
        %get3A_211 = vector.shape_cast %get3A_210 : vector<1x16xf32> to vector<16xf32>
        %add3A_212 = arith.addf %get3A_207, %get3A_211 : vector<16xf32>
        %swap3A_213 = arith.index_cast %scan3A_162 : i32 to index
        %swap3A_214 = arith.constant 48 : index
        %swap3A_215 = tpu.vector_load %arg11[%swap3A_213, %swap3A_214] {strides = array<i32>} : memref<80x128xf32, #tpu.memory_space<vmem>>, vector<1x16xf32>,
        %swap3A_216 = vector.shape_cast %swap3A_215 : vector<1x16xf32> to vector<16xf32>
        %swap3A_217 = vector.shape_cast %add3A_212 : vector<16xf32> to vector<1x16xf32>
        tpu.vector_store %arg11[%swap3A_213, %swap3A_214], %swap3A_217 {strides = array<i32>} : memref<80x128xf32, #tpu.memory_space<vmem>>, vector<1x16xf32>,
        %get3A_218 = arith.index_cast %scan3A_162 : i32 to index
        %get3A_219 = arith.constant 64 : index
        %get3A_220 = tpu.vector_load %arg9[%get3A_218, %get3A_219] {strides = array<i32>} : memref<80x128xf32, #tpu.memory_space<vmem>>, vector<1x16xf32>,
        %get3A_221 = vector.shape_cast %get3A_220 : vector<1x16xf32> to vector<16xf32>
        %get3A_222 = arith.index_cast %scan3A_162 : i32 to index
        %get3A_223 = arith.constant 64 : index
        %get3A_224 = tpu.vector_load %arg10[%get3A_222, %get3A_223] {strides = array<i32>} : memref<80x128xf32, #tpu.memory_space<vmem>>, vector<1x16xf32>,
        %get3A_225 = vector.shape_cast %get3A_224 : vector<1x16xf32> to vector<16xf32>
        %add3A_226 = arith.addf %get3A_221, %get3A_225 : vector<16xf32>
        %swap3A_227 = arith.index_cast %scan3A_162 : i32 to index
        %swap3A_228 = arith.constant 64 : index
        %swap3A_229 = tpu.vector_load %arg11[%swap3A_227, %swap3A_228] {strides = array<i32>} : memref<80x128xf32, #tpu.memory_space<vmem>>, vector<1x16xf32>,
        %swap3A_230 = vector.shape_cast %swap3A_229 : vector<1x16xf32> to vector<16xf32>
        %swap3A_231 = vector.shape_cast %add3A_226 : vector<16xf32> to vector<1x16xf32>
        tpu.vector_store %arg11[%swap3A_227, %swap3A_228], %swap3A_231 {strides = array<i32>} : memref<80x128xf32, #tpu.memory_space<vmem>>, vector<1x16xf32>,
        %get3A_232 = arith.index_cast %scan3A_162 : i32 to index
        %get3A_233 = arith.constant 80 : index
        %get3A_234 = tpu.vector_load %arg9[%get3A_232, %get3A_233] {strides = array<i32>} : memref<80x128xf32, #tpu.memory_space<vmem>>, vector<1x16xf32>,
        %get3A_235 = vector.shape_cast %get3A_234 : vector<1x16xf32> to vector<16xf32>
        %get3A_236 = arith.index_cast %scan3A_162 : i32 to index
        %get3A_237 = arith.constant 80 : index
        %get3A_238 = tpu.vector_load %arg10[%get3A_236, %get3A_237] {strides = array<i32>} : memref<80x128xf32, #tpu.memory_space<vmem>>, vector<1x16xf32>,
        %get3A_239 = vector.shape_cast %get3A_238 : vector<1x16xf32> to vector<16xf32>
        %add3A_240 = arith.addf %get3A_235, %get3A_239 : vector<16xf32>
        %swap3A_241 = arith.index_cast %scan3A_162 : i32 to index
        %swap3A_242 = arith.constant 80 : index
        %swap3A_243 = tpu.vector_load %arg11[%swap3A_241, %swap3A_242] {strides = array<i32>} : memref<80x128xf32, #tpu.memory_space<vmem>>, vector<1x16xf32>,
        %swap3A_244 = vector.shape_cast %swap3A_243 : vector<1x16xf32> to vector<16xf32>
        %swap3A_245 = vector.shape_cast %add3A_240 : vector<16xf32> to vector<1x16xf32>
        tpu.vector_store %arg11[%swap3A_241, %swap3A_242], %swap3A_245 {strides = array<i32>} : memref<80x128xf32, #tpu.memory_space<vmem>>, vector<1x16xf32>,
        %get3A_246 = arith.index_cast %scan3A_162 : i32 to index
        %get3A_247 = arith.constant 96 : index
        %get3A_248 = tpu.vector_load %arg9[%get3A_246, %get3A_247] {strides = array<i32>} : memref<80x128xf32, #tpu.memory_space<vmem>>, vector<1x16xf32>,
        %get3A_249 = vector.shape_cast %get3A_248 : vector<1x16xf32> to vector<16xf32>
        %get3A_250 = arith.index_cast %scan3A_162 : i32 to index
        %get3A_251 = arith.constant 96 : index
        %get3A_252 = tpu.vector_load %arg10[%get3A_250, %get3A_251] {strides = array<i32>} : memref<80x128xf32, #tpu.memory_space<vmem>>, vector<1x16xf32>,
        %get3A_253 = vector.shape_cast %get3A_252 : vector<1x16xf32> to vector<16xf32>
        %add3A_254 = arith.addf %get3A_249, %get3A_253 : vector<16xf32>
        %swap3A_255 = arith.index_cast %scan3A_162 : i32 to index
        %swap3A_256 = arith.constant 96 : index
        %swap3A_257 = tpu.vector_load %arg11[%swap3A_255, %swap3A_256] {strides = array<i32>} : memref<80x128xf32, #tpu.memory_space<vmem>>, vector<1x16xf32>,
        %swap3A_258 = vector.shape_cast %swap3A_257 : vector<1x16xf32> to vector<16xf32>
        %swap3A_259 = vector.shape_cast %add3A_254 : vector<16xf32> to vector<1x16xf32>
        tpu.vector_store %arg11[%swap3A_255, %swap3A_256], %swap3A_259 {strides = array<i32>} : memref<80x128xf32, #tpu.memory_space<vmem>>, vector<1x16xf32>,
        %get3A_260 = arith.index_cast %scan3A_162 : i32 to index
        %get3A_261 = arith.constant 112 : index
        %get3A_262 = tpu.vector_load %arg9[%get3A_260, %get3A_261] {strides = array<i32>} : memref<80x128xf32, #tpu.memory_space<vmem>>, vector<1x16xf32>,
        %get3A_263 = vector.shape_cast %get3A_262 : vector<1x16xf32> to vector<16xf32>
        %get3A_264 = arith.index_cast %scan3A_162 : i32 to index
        %get3A_265 = arith.constant 112 : index
        %get3A_266 = tpu.vector_load %arg10[%get3A_264, %get3A_265] {strides = array<i32>} : memref<80x128xf32, #tpu.memory_space<vmem>>, vector<1x16xf32>,
        %get3A_267 = vector.shape_cast %get3A_266 : vector<1x16xf32> to vector<16xf32>
        %add3A_268 = arith.addf %get3A_263, %get3A_267 : vector<16xf32>
        %swap3A_269 = arith.index_cast %scan3A_162 : i32 to index
        %swap3A_270 = arith.constant 112 : index
        %swap3A_271 = tpu.vector_load %arg11[%swap3A_269, %swap3A_270] {strides = array<i32>} : memref<80x128xf32, #tpu.memory_space<vmem>>, vector<1x16xf32>,
        %swap3A_272 = vector.shape_cast %swap3A_271 : vector<1x16xf32> to vector<16xf32>
        %swap3A_273 = vector.shape_cast %add3A_268 : vector<16xf32> to vector<1x16xf32>
        tpu.vector_store %arg11[%swap3A_269, %swap3A_270], %swap3A_273 {strides = array<i32>} : memref<80x128xf32, #tpu.memory_space<vmem>>, vector<1x16xf32>,
        %scan3A_274 = arith.constant 0 : i32
        scf.yield %scan3A_274 : i32
      }
      %scan3A_105 = arith.constant 80 : i32
      %mul3A_106 = arith.constant 80 : i32
      %mul3A_107 = arith.muli %mul3A_81, %mul3A_106 : i32
      %add3A_108 = arith.addi %mul3A_4, %mul3A_107 : i32
      %dma_start3A_109 = arith.constant 0 : i32
      %dma_start3A_110 = tpu.memref_slice %arg6[%add3A_108, %dma_start3A_109] : memref<320000x128xf32, #tpu.memory_space<hbm>> -> memref<80x128xf32, #tpu.memory_space<hbm>>
      %dma_start3A_111 = arith.constant 0 : i32
      %dma_start3A_112 = tpu.memref_slice %arg6[%add3A_108, %dma_start3A_111] : memref<320000x128xf32, #tpu.memory_space<hbm>> -> memref<80x128xf32, #tpu.memory_space<hbm>>
      tpu.enqueue_dma source(%arg11 : memref<80x128xf32, #tpu.memory_space<vmem>>) target(%dma_start3A_112 : memref<80x128xf32, #tpu.memory_space<hbm>>) target_semaphore(%arg17 : memref<!tpu.dma_semaphore, #tpu.memory_space<semaphore_mem>>)
      %add3A_113 = arith.constant 2 : i32
      %add3A_114 = arith.addi %mul3A_81, %add3A_113 : i32
      %lt3A = arith.constant 125 : i32
      %lt3A_115 = arith.cmpi slt, %add3A_114, %lt3A : i32
      %convert_element_type3A_116 = arith.extui %lt3A_115 : i1 to i32
      %cond3A_117 = arith.constant 0 : i32
      %cond3A_118 = arith.cmpi ne, %convert_element_type3A_116, %cond3A_117 : i32
      scf.if %cond3A_118 {
        %add3A_162 = arith.constant 2 : i32
        %add3A_163 = arith.addi %mul3A_81, %add3A_162 : i32
        %mul3A_164 = arith.constant 80 : i32
        %mul3A_165 = arith.muli %add3A_163, %mul3A_164 : i32
        %mul3A_166 = arith.constant 80 : i32
        %mul3A_167 = arith.muli %add3A_163, %mul3A_166 : i32
        %dma_start3A_168 = tpu.memref_slice %arg7[%mul3A_165] : memref<10000xi32, #tpu.memory_space<vmem>> -> memref<80xi32, #tpu.memory_space<vmem>>
        %dma_start3A_169 = arith.constant 0 : i32
        %dma_start3A_170 = arith.constant 0 : i32
        %dma_start3A_171 = tpu.memref_slice %arg2[%dma_start3A_169, %dma_start3A_170] : memref<10000x128xf32, #tpu.memory_space<hbm>> -> memref<10000x128xf32, #tpu.memory_space<hbm>>
        tpu.enqueue_indirect_dma source(%dma_start3A_171 : memref<10000x128xf32, #tpu.memory_space<hbm>>) target(%arg9 : memref<80x128xf32, #tpu.memory_space<vmem>>) offsets(%dma_start3A_168 : memref<80xi32, #tpu.memory_space<vmem>>) semaphore(%arg15 : memref<!tpu.dma_semaphore, #tpu.memory_space<semaphore_mem>>)
        %dma_start3A_172 = tpu.memref_slice %arg8[%mul3A_167] : memref<10000xi32, #tpu.memory_space<vmem>> -> memref<80xi32, #tpu.memory_space<vmem>>
        %dma_start3A_173 = arith.constant 0 : i32
        %dma_start3A_174 = arith.constant 0 : i32
        %dma_start3A_175 = tpu.memref_slice %arg3[%dma_start3A_173, %dma_start3A_174] : memref<10000x128xf32, #tpu.memory_space<hbm>> -> memref<10000x128xf32, #tpu.memory_space<hbm>>
        tpu.enqueue_indirect_dma source(%dma_start3A_175 : memref<10000x128xf32, #tpu.memory_space<hbm>>) target(%arg10 : memref<80x128xf32, #tpu.memory_space<vmem>>) offsets(%dma_start3A_172 : memref<80xi32, #tpu.memory_space<vmem>>) semaphore(%arg15 : memref<!tpu.dma_semaphore, #tpu.memory_space<semaphore_mem>>)
      } else {
      }
      %mul3A_119 = arith.constant 2 : i32
      %mul3A_120 = arith.muli %mul3A_119, %scan3A_78 : i32
      %add3A_121 = arith.constant 1 : i32
      %add3A_122 = arith.addi %mul3A_120, %add3A_121 : i32
      %mul3A_123 = arith.constant 80 : i32
      %mul3A_124 = arith.muli %add3A_122, %mul3A_123 : i32
      %mul3A_125 = arith.constant 80 : i32
      %mul3A_126 = arith.muli %add3A_122, %mul3A_125 : i32
      %dma_wait3A_127 = tpu.memref_slice %arg7[%mul3A_124] : memref<10000xi32, #tpu.memory_space<vmem>> -> memref<80xi32, #tpu.memory_space<vmem>>
      %dma_wait3A_128 = arith.constant 0 : i32
      %dma_wait3A_129 = arith.constant 0 : i32
      %dma_wait3A_130 = tpu.memref_slice %arg2[%dma_wait3A_128, %dma_wait3A_129] : memref<10000x128xf32, #tpu.memory_space<hbm>> -> memref<10000x128xf32, #tpu.memory_space<hbm>>
      tpu.wait_indirect_dma semaphore(%arg16 : memref<!tpu.dma_semaphore, #tpu.memory_space<semaphore_mem>>) src(%dma_wait3A_130 : memref<10000x128xf32, #tpu.memory_space<hbm>>) dst(%arg12 : memref<80x128xf32, #tpu.memory_space<vmem>>)
      %dma_wait3A_131 = tpu.memref_slice %arg8[%mul3A_126] : memref<10000xi32, #tpu.memory_space<vmem>> -> memref<80xi32, #tpu.memory_space<vmem>>
      %dma_wait3A_132 = arith.constant 0 : i32
      %dma_wait3A_133 = arith.constant 0 : i32
      %dma_wait3A_134 = tpu.memref_slice %arg3[%dma_wait3A_132, %dma_wait3A_133] : memref<10000x128xf32, #tpu.memory_space<hbm>> -> memref<10000x128xf32, #tpu.memory_space<hbm>>
      tpu.wait_indirect_dma semaphore(%arg16 : memref<!tpu.dma_semaphore, #tpu.memory_space<semaphore_mem>>) src(%dma_wait3A_134 : memref<10000x128xf32, #tpu.memory_space<hbm>>) dst(%arg13 : memref<80x128xf32, #tpu.memory_space<vmem>>)
      %ge3A_135 = arith.constant 2 : i32
      %ge3A_136 = arith.cmpi sge, %add3A_122, %ge3A_135 : i32
      %convert_element_type3A_137 = arith.extui %ge3A_136 : i1 to i32
      %cond3A_138 = arith.constant 0 : i32
      %cond3A_139 = arith.cmpi ne, %convert_element_type3A_137, %cond3A_138 : i32
      scf.if %cond3A_139 {
        %sub3A = arith.constant 2 : i32
        %sub3A_162 = arith.subi %add3A_122, %sub3A : i32
        %mul3A_163 = arith.constant 80 : i32
        %mul3A_164 = arith.muli %sub3A_162, %mul3A_163 : i32
        %add3A_165 = arith.addi %mul3A_4, %mul3A_164 : i32
        %dma_wait3A_166 = arith.constant 0 : i32
        %dma_wait3A_167 = tpu.memref_slice %arg6[%add3A_165, %dma_wait3A_166] : memref<320000x128xf32, #tpu.memory_space<hbm>> -> memref<80x128xf32, #tpu.memory_space<hbm>>
        %dma_wait3A_168 = arith.constant 0 : i32
        %dma_wait3A_169 = tpu.memref_slice %arg6[%add3A_165, %dma_wait3A_168] : memref<320000x128xf32, #tpu.memory_space<hbm>> -> memref<80x128xf32, #tpu.memory_space<hbm>>
        tpu.wait_dma2 semaphore(%arg18 : memref<!tpu.dma_semaphore, #tpu.memory_space<semaphore_mem>>) src(%arg14 : memref<80x128xf32, #tpu.memory_space<vmem>>) dst(%dma_wait3A_169 : memref<80x128xf32, #tpu.memory_space<hbm>>)
      } else {
      }
      %scan3A_140 = arith.constant 0 : i32
      %scan3A_141 = arith.constant 0 : i32
      %scan3A_142 = arith.constant 80 : i32
      %scan3A_143 = arith.addi %scan3A_141, %scan3A_142 : i32
      %scan3A_144 = arith.constant 1 : i32
      %scan3A_145 = scf.for %scan3A_162 = %scan3A_141 to %scan3A_143 step %scan3A_144 iter_args(%scan3A_163 = %scan3A_140) -> (i32)  : i32 {
        %get3A = arith.index_cast %scan3A_162 : i32 to index
        %get3A_164 = arith.constant 0 : index
        %get3A_165 = tpu.vector_load %arg12[%get3A, %get3A_164] {strides = array<i32>} : memref<80x128xf32, #tpu.memory_space<vmem>>, vector<1x16xf32>,
        %get3A_166 = vector.shape_cast %get3A_165 : vector<1x16xf32> to vector<16xf32>
        %get3A_167 = arith.index_cast %scan3A_162 : i32 to index
        %get3A_168 = arith.constant 0 : index
        %get3A_169 = tpu.vector_load %arg13[%get3A_167, %get3A_168] {strides = array<i32>} : memref<80x128xf32, #tpu.memory_space<vmem>>, vector<1x16xf32>,
        %get3A_170 = vector.shape_cast %get3A_169 : vector<1x16xf32> to vector<16xf32>
        %add3A_171 = arith.addf %get3A_166, %get3A_170 : vector<16xf32>
        %swap3A = arith.index_cast %scan3A_162 : i32 to index
        %swap3A_172 = arith.constant 0 : index
        %swap3A_173 = tpu.vector_load %arg14[%swap3A, %swap3A_172] {strides = array<i32>} : memref<80x128xf32, #tpu.memory_space<vmem>>, vector<1x16xf32>,
        %swap3A_174 = vector.shape_cast %swap3A_173 : vector<1x16xf32> to vector<16xf32>
        %swap3A_175 = vector.shape_cast %add3A_171 : vector<16xf32> to vector<1x16xf32>
        tpu.vector_store %arg14[%swap3A, %swap3A_172], %swap3A_175 {strides = array<i32>} : memref<80x128xf32, #tpu.memory_space<vmem>>, vector<1x16xf32>,
        %get3A_176 = arith.index_cast %scan3A_162 : i32 to index
        %get3A_177 = arith.constant 16 : index
        %get3A_178 = tpu.vector_load %arg12[%get3A_176, %get3A_177] {strides = array<i32>} : memref<80x128xf32, #tpu.memory_space<vmem>>, vector<1x16xf32>,
        %get3A_179 = vector.shape_cast %get3A_178 : vector<1x16xf32> to vector<16xf32>
        %get3A_180 = arith.index_cast %scan3A_162 : i32 to index
        %get3A_181 = arith.constant 16 : index
        %get3A_182 = tpu.vector_load %arg13[%get3A_180, %get3A_181] {strides = array<i32>} : memref<80x128xf32, #tpu.memory_space<vmem>>, vector<1x16xf32>,
        %get3A_183 = vector.shape_cast %get3A_182 : vector<1x16xf32> to vector<16xf32>
        %add3A_184 = arith.addf %get3A_179, %get3A_183 : vector<16xf32>
        %swap3A_185 = arith.index_cast %scan3A_162 : i32 to index
        %swap3A_186 = arith.constant 16 : index
        %swap3A_187 = tpu.vector_load %arg14[%swap3A_185, %swap3A_186] {strides = array<i32>} : memref<80x128xf32, #tpu.memory_space<vmem>>, vector<1x16xf32>,
        %swap3A_188 = vector.shape_cast %swap3A_187 : vector<1x16xf32> to vector<16xf32>
        %swap3A_189 = vector.shape_cast %add3A_184 : vector<16xf32> to vector<1x16xf32>
        tpu.vector_store %arg14[%swap3A_185, %swap3A_186], %swap3A_189 {strides = array<i32>} : memref<80x128xf32, #tpu.memory_space<vmem>>, vector<1x16xf32>,
        %get3A_190 = arith.index_cast %scan3A_162 : i32 to index
        %get3A_191 = arith.constant 32 : index
        %get3A_192 = tpu.vector_load %arg12[%get3A_190, %get3A_191] {strides = array<i32>} : memref<80x128xf32, #tpu.memory_space<vmem>>, vector<1x16xf32>,
        %get3A_193 = vector.shape_cast %get3A_192 : vector<1x16xf32> to vector<16xf32>
        %get3A_194 = arith.index_cast %scan3A_162 : i32 to index
        %get3A_195 = arith.constant 32 : index
        %get3A_196 = tpu.vector_load %arg13[%get3A_194, %get3A_195] {strides = array<i32>} : memref<80x128xf32, #tpu.memory_space<vmem>>, vector<1x16xf32>,
        %get3A_197 = vector.shape_cast %get3A_196 : vector<1x16xf32> to vector<16xf32>
        %add3A_198 = arith.addf %get3A_193, %get3A_197 : vector<16xf32>
        %swap3A_199 = arith.index_cast %scan3A_162 : i32 to index
        %swap3A_200 = arith.constant 32 : index
        %swap3A_201 = tpu.vector_load %arg14[%swap3A_199, %swap3A_200] {strides = array<i32>} : memref<80x128xf32, #tpu.memory_space<vmem>>, vector<1x16xf32>,
        %swap3A_202 = vector.shape_cast %swap3A_201 : vector<1x16xf32> to vector<16xf32>
        %swap3A_203 = vector.shape_cast %add3A_198 : vector<16xf32> to vector<1x16xf32>
        tpu.vector_store %arg14[%swap3A_199, %swap3A_200], %swap3A_203 {strides = array<i32>} : memref<80x128xf32, #tpu.memory_space<vmem>>, vector<1x16xf32>,
        %get3A_204 = arith.index_cast %scan3A_162 : i32 to index
        %get3A_205 = arith.constant 48 : index
        %get3A_206 = tpu.vector_load %arg12[%get3A_204, %get3A_205] {strides = array<i32>} : memref<80x128xf32, #tpu.memory_space<vmem>>, vector<1x16xf32>,
        %get3A_207 = vector.shape_cast %get3A_206 : vector<1x16xf32> to vector<16xf32>
        %get3A_208 = arith.index_cast %scan3A_162 : i32 to index
        %get3A_209 = arith.constant 48 : index
        %get3A_210 = tpu.vector_load %arg13[%get3A_208, %get3A_209] {strides = array<i32>} : memref<80x128xf32, #tpu.memory_space<vmem>>, vector<1x16xf32>,
        %get3A_211 = vector.shape_cast %get3A_210 : vector<1x16xf32> to vector<16xf32>
        %add3A_212 = arith.addf %get3A_207, %get3A_211 : vector<16xf32>
        %swap3A_213 = arith.index_cast %scan3A_162 : i32 to index
        %swap3A_214 = arith.constant 48 : index
        %swap3A_215 = tpu.vector_load %arg14[%swap3A_213, %swap3A_214] {strides = array<i32>} : memref<80x128xf32, #tpu.memory_space<vmem>>, vector<1x16xf32>,
        %swap3A_216 = vector.shape_cast %swap3A_215 : vector<1x16xf32> to vector<16xf32>
        %swap3A_217 = vector.shape_cast %add3A_212 : vector<16xf32> to vector<1x16xf32>
        tpu.vector_store %arg14[%swap3A_213, %swap3A_214], %swap3A_217 {strides = array<i32>} : memref<80x128xf32, #tpu.memory_space<vmem>>, vector<1x16xf32>,
        %get3A_218 = arith.index_cast %scan3A_162 : i32 to index
        %get3A_219 = arith.constant 64 : index
        %get3A_220 = tpu.vector_load %arg12[%get3A_218, %get3A_219] {strides = array<i32>} : memref<80x128xf32, #tpu.memory_space<vmem>>, vector<1x16xf32>,
        %get3A_221 = vector.shape_cast %get3A_220 : vector<1x16xf32> to vector<16xf32>
        %get3A_222 = arith.index_cast %scan3A_162 : i32 to index
        %get3A_223 = arith.constant 64 : index
        %get3A_224 = tpu.vector_load %arg13[%get3A_222, %get3A_223] {strides = array<i32>} : memref<80x128xf32, #tpu.memory_space<vmem>>, vector<1x16xf32>,
        %get3A_225 = vector.shape_cast %get3A_224 : vector<1x16xf32> to vector<16xf32>
        %add3A_226 = arith.addf %get3A_221, %get3A_225 : vector<16xf32>
        %swap3A_227 = arith.index_cast %scan3A_162 : i32 to index
        %swap3A_228 = arith.constant 64 : index
        %swap3A_229 = tpu.vector_load %arg14[%swap3A_227, %swap3A_228] {strides = array<i32>} : memref<80x128xf32, #tpu.memory_space<vmem>>, vector<1x16xf32>,
        %swap3A_230 = vector.shape_cast %swap3A_229 : vector<1x16xf32> to vector<16xf32>
        %swap3A_231 = vector.shape_cast %add3A_226 : vector<16xf32> to vector<1x16xf32>
        tpu.vector_store %arg14[%swap3A_227, %swap3A_228], %swap3A_231 {strides = array<i32>} : memref<80x128xf32, #tpu.memory_space<vmem>>, vector<1x16xf32>,
        %get3A_232 = arith.index_cast %scan3A_162 : i32 to index
        %get3A_233 = arith.constant 80 : index
        %get3A_234 = tpu.vector_load %arg12[%get3A_232, %get3A_233] {strides = array<i32>} : memref<80x128xf32, #tpu.memory_space<vmem>>, vector<1x16xf32>,
        %get3A_235 = vector.shape_cast %get3A_234 : vector<1x16xf32> to vector<16xf32>
        %get3A_236 = arith.index_cast %scan3A_162 : i32 to index
        %get3A_237 = arith.constant 80 : index
        %get3A_238 = tpu.vector_load %arg13[%get3A_236, %get3A_237] {strides = array<i32>} : memref<80x128xf32, #tpu.memory_space<vmem>>, vector<1x16xf32>,
        %get3A_239 = vector.shape_cast %get3A_238 : vector<1x16xf32> to vector<16xf32>
        %add3A_240 = arith.addf %get3A_235, %get3A_239 : vector<16xf32>
        %swap3A_241 = arith.index_cast %scan3A_162 : i32 to index
        %swap3A_242 = arith.constant 80 : index
        %swap3A_243 = tpu.vector_load %arg14[%swap3A_241, %swap3A_242] {strides = array<i32>} : memref<80x128xf32, #tpu.memory_space<vmem>>, vector<1x16xf32>,
        %swap3A_244 = vector.shape_cast %swap3A_243 : vector<1x16xf32> to vector<16xf32>
        %swap3A_245 = vector.shape_cast %add3A_240 : vector<16xf32> to vector<1x16xf32>
        tpu.vector_store %arg14[%swap3A_241, %swap3A_242], %swap3A_245 {strides = array<i32>} : memref<80x128xf32, #tpu.memory_space<vmem>>, vector<1x16xf32>,
        %get3A_246 = arith.index_cast %scan3A_162 : i32 to index
        %get3A_247 = arith.constant 96 : index
        %get3A_248 = tpu.vector_load %arg12[%get3A_246, %get3A_247] {strides = array<i32>} : memref<80x128xf32, #tpu.memory_space<vmem>>, vector<1x16xf32>,
        %get3A_249 = vector.shape_cast %get3A_248 : vector<1x16xf32> to vector<16xf32>
        %get3A_250 = arith.index_cast %scan3A_162 : i32 to index
        %get3A_251 = arith.constant 96 : index
        %get3A_252 = tpu.vector_load %arg13[%get3A_250, %get3A_251] {strides = array<i32>} : memref<80x128xf32, #tpu.memory_space<vmem>>, vector<1x16xf32>,
        %get3A_253 = vector.shape_cast %get3A_252 : vector<1x16xf32> to vector<16xf32>
        %add3A_254 = arith.addf %get3A_249, %get3A_253 : vector<16xf32>
        %swap3A_255 = arith.index_cast %scan3A_162 : i32 to index
        %swap3A_256 = arith.constant 96 : index
        %swap3A_257 = tpu.vector_load %arg14[%swap3A_255, %swap3A_256] {strides = array<i32>} : memref<80x128xf32, #tpu.memory_space<vmem>>, vector<1x16xf32>,
        %swap3A_258 = vector.shape_cast %swap3A_257 : vector<1x16xf32> to vector<16xf32>
        %swap3A_259 = vector.shape_cast %add3A_254 : vector<16xf32> to vector<1x16xf32>
        tpu.vector_store %arg14[%swap3A_255, %swap3A_256], %swap3A_259 {strides = array<i32>} : memref<80x128xf32, #tpu.memory_space<vmem>>, vector<1x16xf32>,
        %get3A_260 = arith.index_cast %scan3A_162 : i32 to index
        %get3A_261 = arith.constant 112 : index
        %get3A_262 = tpu.vector_load %arg12[%get3A_260, %get3A_261] {strides = array<i32>} : memref<80x128xf32, #tpu.memory_space<vmem>>, vector<1x16xf32>,
        %get3A_263 = vector.shape_cast %get3A_262 : vector<1x16xf32> to vector<16xf32>
        %get3A_264 = arith.index_cast %scan3A_162 : i32 to index
        %get3A_265 = arith.constant 112 : index
        %get3A_266 = tpu.vector_load %arg13[%get3A_264, %get3A_265] {strides = array<i32>} : memref<80x128xf32, #tpu.memory_space<vmem>>, vector<1x16xf32>,
        %get3A_267 = vector.shape_cast %get3A_266 : vector<1x16xf32> to vector<16xf32>
        %add3A_268 = arith.addf %get3A_263, %get3A_267 : vector<16xf32>
        %swap3A_269 = arith.index_cast %scan3A_162 : i32 to index
        %swap3A_270 = arith.constant 112 : index
        %swap3A_271 = tpu.vector_load %arg14[%swap3A_269, %swap3A_270] {strides = array<i32>} : memref<80x128xf32, #tpu.memory_space<vmem>>, vector<1x16xf32>,
        %swap3A_272 = vector.shape_cast %swap3A_271 : vector<1x16xf32> to vector<16xf32>
        %swap3A_273 = vector.shape_cast %add3A_268 : vector<16xf32> to vector<1x16xf32>
        tpu.vector_store %arg14[%swap3A_269, %swap3A_270], %swap3A_273 {strides = array<i32>} : memref<80x128xf32, #tpu.memory_space<vmem>>, vector<1x16xf32>,
        %scan3A_274 = arith.constant 0 : i32
        scf.yield %scan3A_274 : i32
      }
      %scan3A_146 = arith.constant 80 : i32
      %mul3A_147 = arith.constant 80 : i32
      %mul3A_148 = arith.muli %add3A_122, %mul3A_147 : i32
      %add3A_149 = arith.addi %mul3A_4, %mul3A_148 : i32
      %dma_start3A_150 = arith.constant 0 : i32
      %dma_start3A_151 = tpu.memref_slice %arg6[%add3A_149, %dma_start3A_150] : memref<320000x128xf32, #tpu.memory_space<hbm>> -> memref<80x128xf32, #tpu.memory_space<hbm>>
      %dma_start3A_152 = arith.constant 0 : i32
      %dma_start3A_153 = tpu.memref_slice %arg6[%add3A_149, %dma_start3A_152] : memref<320000x128xf32, #tpu.memory_space<hbm>> -> memref<80x128xf32, #tpu.memory_space<hbm>>
      tpu.enqueue_dma source(%arg14 : memref<80x128xf32, #tpu.memory_space<vmem>>) target(%dma_start3A_153 : memref<80x128xf32, #tpu.memory_space<hbm>>) target_semaphore(%arg18 : memref<!tpu.dma_semaphore, #tpu.memory_space<semaphore_mem>>)
      %add3A_154 = arith.constant 2 : i32
      %add3A_155 = arith.addi %add3A_122, %add3A_154 : i32
      %lt3A_156 = arith.constant 125 : i32
      %lt3A_157 = arith.cmpi slt, %add3A_155, %lt3A_156 : i32
      %convert_element_type3A_158 = arith.extui %lt3A_157 : i1 to i32
      %cond3A_159 = arith.constant 0 : i32
      %cond3A_160 = arith.cmpi ne, %convert_element_type3A_158, %cond3A_159 : i32
      scf.if %cond3A_160 {
        %add3A_162 = arith.constant 2 : i32
        %add3A_163 = arith.addi %add3A_122, %add3A_162 : i32
        %mul3A_164 = arith.constant 80 : i32
        %mul3A_165 = arith.muli %add3A_163, %mul3A_164 : i32
        %mul3A_166 = arith.constant 80 : i32
        %mul3A_167 = arith.muli %add3A_163, %mul3A_166 : i32
        %dma_start3A_168 = tpu.memref_slice %arg7[%mul3A_165] : memref<10000xi32, #tpu.memory_space<vmem>> -> memref<80xi32, #tpu.memory_space<vmem>>
        %dma_start3A_169 = arith.constant 0 : i32
        %dma_start3A_170 = arith.constant 0 : i32
        %dma_start3A_171 = tpu.memref_slice %arg2[%dma_start3A_169, %dma_start3A_170] : memref<10000x128xf32, #tpu.memory_space<hbm>> -> memref<10000x128xf32, #tpu.memory_space<hbm>>
        tpu.enqueue_indirect_dma source(%dma_start3A_171 : memref<10000x128xf32, #tpu.memory_space<hbm>>) target(%arg12 : memref<80x128xf32, #tpu.memory_space<vmem>>) offsets(%dma_start3A_168 : memref<80xi32, #tpu.memory_space<vmem>>) semaphore(%arg16 : memref<!tpu.dma_semaphore, #tpu.memory_space<semaphore_mem>>)
        %dma_start3A_172 = tpu.memref_slice %arg8[%mul3A_167] : memref<10000xi32, #tpu.memory_space<vmem>> -> memref<80xi32, #tpu.memory_space<vmem>>
        %dma_start3A_173 = arith.constant 0 : i32
        %dma_start3A_174 = arith.constant 0 : i32
        %dma_start3A_175 = tpu.memref_slice %arg3[%dma_start3A_173, %dma_start3A_174] : memref<10000x128xf32, #tpu.memory_space<hbm>> -> memref<10000x128xf32, #tpu.memory_space<hbm>>
        tpu.enqueue_indirect_dma source(%dma_start3A_175 : memref<10000x128xf32, #tpu.memory_space<hbm>>) target(%arg13 : memref<80x128xf32, #tpu.memory_space<vmem>>) offsets(%dma_start3A_172 : memref<80xi32, #tpu.memory_space<vmem>>) semaphore(%arg16 : memref<!tpu.dma_semaphore, #tpu.memory_space<semaphore_mem>>)
      } else {
      }
      %scan3A_161 = arith.constant 0 : i32
      scf.yield %scan3A_161 : i32
    }
    %scan3A_29 = arith.constant 62 : i32
    %mul3A_30 = arith.constant 124 : i32
    %mul3A_31 = arith.constant 80 : i32
    %mul3A_32 = arith.muli %mul3A_30, %mul3A_31 : i32
    %mul3A_33 = arith.constant 124 : i32
    %mul3A_34 = arith.constant 80 : i32
    %mul3A_35 = arith.muli %mul3A_33, %mul3A_34 : i32
    %dma_wait3A = tpu.memref_slice %arg7[%mul3A_32] : memref<10000xi32, #tpu.memory_space<vmem>> -> memref<80xi32, #tpu.memory_space<vmem>>
    %dma_wait3A_36 = arith.constant 0 : i32
    %dma_wait3A_37 = arith.constant 0 : i32
    %dma_wait3A_38 = tpu.memref_slice %arg2[%dma_wait3A_36, %dma_wait3A_37] : memref<10000x128xf32, #tpu.memory_space<hbm>> -> memref<10000x128xf32, #tpu.memory_space<hbm>>
    tpu.wait_indirect_dma semaphore(%arg15 : memref<!tpu.dma_semaphore, #tpu.memory_space<semaphore_mem>>) src(%dma_wait3A_38 : memref<10000x128xf32, #tpu.memory_space<hbm>>) dst(%arg9 : memref<80x128xf32, #tpu.memory_space<vmem>>)
    %dma_wait3A_39 = tpu.memref_slice %arg8[%mul3A_35] : memref<10000xi32, #tpu.memory_space<vmem>> -> memref<80xi32, #tpu.memory_space<vmem>>
    %dma_wait3A_40 = arith.constant 0 : i32
    %dma_wait3A_41 = arith.constant 0 : i32
    %dma_wait3A_42 = tpu.memref_slice %arg3[%dma_wait3A_40, %dma_wait3A_41] : memref<10000x128xf32, #tpu.memory_space<hbm>> -> memref<10000x128xf32, #tpu.memory_space<hbm>>
    tpu.wait_indirect_dma semaphore(%arg15 : memref<!tpu.dma_semaphore, #tpu.memory_space<semaphore_mem>>) src(%dma_wait3A_42 : memref<10000x128xf32, #tpu.memory_space<hbm>>) dst(%arg10 : memref<80x128xf32, #tpu.memory_space<vmem>>)
    %ge3A = arith.constant 124 : i32
    %ge3A_43 = arith.constant 2 : i32
    %ge3A_44 = arith.cmpi sge, %ge3A, %ge3A_43 : i32
    %convert_element_type3A = arith.extui %ge3A_44 : i1 to i32
    %cond3A = arith.constant 124 : i32
    %cond3A_45 = arith.constant 0 : i32
    %cond3A_46 = arith.cmpi ne, %convert_element_type3A, %cond3A_45 : i32
    scf.if %cond3A_46 {
      %sub3A = arith.constant 2 : i32
      %sub3A_78 = arith.subi %cond3A, %sub3A : i32
      %mul3A_79 = arith.constant 80 : i32
      %mul3A_80 = arith.muli %sub3A_78, %mul3A_79 : i32
      %add3A_81 = arith.addi %mul3A_4, %mul3A_80 : i32
      %dma_wait3A_82 = arith.constant 0 : i32
      %dma_wait3A_83 = tpu.memref_slice %arg6[%add3A_81, %dma_wait3A_82] : memref<320000x128xf32, #tpu.memory_space<hbm>> -> memref<80x128xf32, #tpu.memory_space<hbm>>
      %dma_wait3A_84 = arith.constant 0 : i32
      %dma_wait3A_85 = tpu.memref_slice %arg6[%add3A_81, %dma_wait3A_84] : memref<320000x128xf32, #tpu.memory_space<hbm>> -> memref<80x128xf32, #tpu.memory_space<hbm>>
      tpu.wait_dma2 semaphore(%arg17 : memref<!tpu.dma_semaphore, #tpu.memory_space<semaphore_mem>>) src(%arg11 : memref<80x128xf32, #tpu.memory_space<vmem>>) dst(%dma_wait3A_85 : memref<80x128xf32, #tpu.memory_space<hbm>>)
    } else {
    }
    %scan3A_47 = arith.constant 0 : i32
    %scan3A_48 = arith.constant 0 : i32
    %scan3A_49 = arith.constant 80 : i32
    %scan3A_50 = arith.addi %scan3A_48, %scan3A_49 : i32
    %scan3A_51 = arith.constant 1 : i32
    %scan3A_52 = scf.for %scan3A_78 = %scan3A_48 to %scan3A_50 step %scan3A_51 iter_args(%scan3A_79 = %scan3A_47) -> (i32)  : i32 {
      %get3A = arith.index_cast %scan3A_78 : i32 to index
      %get3A_80 = arith.constant 0 : index
      %get3A_81 = tpu.vector_load %arg9[%get3A, %get3A_80] {strides = array<i32>} : memref<80x128xf32, #tpu.memory_space<vmem>>, vector<1x16xf32>,
      %get3A_82 = vector.shape_cast %get3A_81 : vector<1x16xf32> to vector<16xf32>
      %get3A_83 = arith.index_cast %scan3A_78 : i32 to index
      %get3A_84 = arith.constant 0 : index
      %get3A_85 = tpu.vector_load %arg10[%get3A_83, %get3A_84] {strides = array<i32>} : memref<80x128xf32, #tpu.memory_space<vmem>>, vector<1x16xf32>,
      %get3A_86 = vector.shape_cast %get3A_85 : vector<1x16xf32> to vector<16xf32>
      %add3A_87 = arith.addf %get3A_82, %get3A_86 : vector<16xf32>
      %swap3A = arith.index_cast %scan3A_78 : i32 to index
      %swap3A_88 = arith.constant 0 : index
      %swap3A_89 = tpu.vector_load %arg11[%swap3A, %swap3A_88] {strides = array<i32>} : memref<80x128xf32, #tpu.memory_space<vmem>>, vector<1x16xf32>,
      %swap3A_90 = vector.shape_cast %swap3A_89 : vector<1x16xf32> to vector<16xf32>
      %swap3A_91 = vector.shape_cast %add3A_87 : vector<16xf32> to vector<1x16xf32>
      tpu.vector_store %arg11[%swap3A, %swap3A_88], %swap3A_91 {strides = array<i32>} : memref<80x128xf32, #tpu.memory_space<vmem>>, vector<1x16xf32>,
      %get3A_92 = arith.index_cast %scan3A_78 : i32 to index
      %get3A_93 = arith.constant 16 : index
      %get3A_94 = tpu.vector_load %arg9[%get3A_92, %get3A_93] {strides = array<i32>} : memref<80x128xf32, #tpu.memory_space<vmem>>, vector<1x16xf32>,
      %get3A_95 = vector.shape_cast %get3A_94 : vector<1x16xf32> to vector<16xf32>
      %get3A_96 = arith.index_cast %scan3A_78 : i32 to index
      %get3A_97 = arith.constant 16 : index
      %get3A_98 = tpu.vector_load %arg10[%get3A_96, %get3A_97] {strides = array<i32>} : memref<80x128xf32, #tpu.memory_space<vmem>>, vector<1x16xf32>,
      %get3A_99 = vector.shape_cast %get3A_98 : vector<1x16xf32> to vector<16xf32>
      %add3A_100 = arith.addf %get3A_95, %get3A_99 : vector<16xf32>
      %swap3A_101 = arith.index_cast %scan3A_78 : i32 to index
      %swap3A_102 = arith.constant 16 : index
      %swap3A_103 = tpu.vector_load %arg11[%swap3A_101, %swap3A_102] {strides = array<i32>} : memref<80x128xf32, #tpu.memory_space<vmem>>, vector<1x16xf32>,
      %swap3A_104 = vector.shape_cast %swap3A_103 : vector<1x16xf32> to vector<16xf32>
      %swap3A_105 = vector.shape_cast %add3A_100 : vector<16xf32> to vector<1x16xf32>
      tpu.vector_store %arg11[%swap3A_101, %swap3A_102], %swap3A_105 {strides = array<i32>} : memref<80x128xf32, #tpu.memory_space<vmem>>, vector<1x16xf32>,
      %get3A_106 = arith.index_cast %scan3A_78 : i32 to index
      %get3A_107 = arith.constant 32 : index
      %get3A_108 = tpu.vector_load %arg9[%get3A_106, %get3A_107] {strides = array<i32>} : memref<80x128xf32, #tpu.memory_space<vmem>>, vector<1x16xf32>,
      %get3A_109 = vector.shape_cast %get3A_108 : vector<1x16xf32> to vector<16xf32>
      %get3A_110 = arith.index_cast %scan3A_78 : i32 to index
      %get3A_111 = arith.constant 32 : index
      %get3A_112 = tpu.vector_load %arg10[%get3A_110, %get3A_111] {strides = array<i32>} : memref<80x128xf32, #tpu.memory_space<vmem>>, vector<1x16xf32>,
      %get3A_113 = vector.shape_cast %get3A_112 : vector<1x16xf32> to vector<16xf32>
      %add3A_114 = arith.addf %get3A_109, %get3A_113 : vector<16xf32>
      %swap3A_115 = arith.index_cast %scan3A_78 : i32 to index
      %swap3A_116 = arith.constant 32 : index
      %swap3A_117 = tpu.vector_load %arg11[%swap3A_115, %swap3A_116] {strides = array<i32>} : memref<80x128xf32, #tpu.memory_space<vmem>>, vector<1x16xf32>,
      %swap3A_118 = vector.shape_cast %swap3A_117 : vector<1x16xf32> to vector<16xf32>
      %swap3A_119 = vector.shape_cast %add3A_114 : vector<16xf32> to vector<1x16xf32>
      tpu.vector_store %arg11[%swap3A_115, %swap3A_116], %swap3A_119 {strides = array<i32>} : memref<80x128xf32, #tpu.memory_space<vmem>>, vector<1x16xf32>,
      %get3A_120 = arith.index_cast %scan3A_78 : i32 to index
      %get3A_121 = arith.constant 48 : index
      %get3A_122 = tpu.vector_load %arg9[%get3A_120, %get3A_121] {strides = array<i32>} : memref<80x128xf32, #tpu.memory_space<vmem>>, vector<1x16xf32>,
      %get3A_123 = vector.shape_cast %get3A_122 : vector<1x16xf32> to vector<16xf32>
      %get3A_124 = arith.index_cast %scan3A_78 : i32 to index
      %get3A_125 = arith.constant 48 : index
      %get3A_126 = tpu.vector_load %arg10[%get3A_124, %get3A_125] {strides = array<i32>} : memref<80x128xf32, #tpu.memory_space<vmem>>, vector<1x16xf32>,
      %get3A_127 = vector.shape_cast %get3A_126 : vector<1x16xf32> to vector<16xf32>
      %add3A_128 = arith.addf %get3A_123, %get3A_127 : vector<16xf32>
      %swap3A_129 = arith.index_cast %scan3A_78 : i32 to index
      %swap3A_130 = arith.constant 48 : index
      %swap3A_131 = tpu.vector_load %arg11[%swap3A_129, %swap3A_130] {strides = array<i32>} : memref<80x128xf32, #tpu.memory_space<vmem>>, vector<1x16xf32>,
      %swap3A_132 = vector.shape_cast %swap3A_131 : vector<1x16xf32> to vector<16xf32>
      %swap3A_133 = vector.shape_cast %add3A_128 : vector<16xf32> to vector<1x16xf32>
      tpu.vector_store %arg11[%swap3A_129, %swap3A_130], %swap3A_133 {strides = array<i32>} : memref<80x128xf32, #tpu.memory_space<vmem>>, vector<1x16xf32>,
      %get3A_134 = arith.index_cast %scan3A_78 : i32 to index
      %get3A_135 = arith.constant 64 : index
      %get3A_136 = tpu.vector_load %arg9[%get3A_134, %get3A_135] {strides = array<i32>} : memref<80x128xf32, #tpu.memory_space<vmem>>, vector<1x16xf32>,
      %get3A_137 = vector.shape_cast %get3A_136 : vector<1x16xf32> to vector<16xf32>
      %get3A_138 = arith.index_cast %scan3A_78 : i32 to index
      %get3A_139 = arith.constant 64 : index
      %get3A_140 = tpu.vector_load %arg10[%get3A_138, %get3A_139] {strides = array<i32>} : memref<80x128xf32, #tpu.memory_space<vmem>>, vector<1x16xf32>,
      %get3A_141 = vector.shape_cast %get3A_140 : vector<1x16xf32> to vector<16xf32>
      %add3A_142 = arith.addf %get3A_137, %get3A_141 : vector<16xf32>
      %swap3A_143 = arith.index_cast %scan3A_78 : i32 to index
      %swap3A_144 = arith.constant 64 : index
      %swap3A_145 = tpu.vector_load %arg11[%swap3A_143, %swap3A_144] {strides = array<i32>} : memref<80x128xf32, #tpu.memory_space<vmem>>, vector<1x16xf32>,
      %swap3A_146 = vector.shape_cast %swap3A_145 : vector<1x16xf32> to vector<16xf32>
      %swap3A_147 = vector.shape_cast %add3A_142 : vector<16xf32> to vector<1x16xf32>
      tpu.vector_store %arg11[%swap3A_143, %swap3A_144], %swap3A_147 {strides = array<i32>} : memref<80x128xf32, #tpu.memory_space<vmem>>, vector<1x16xf32>,
      %get3A_148 = arith.index_cast %scan3A_78 : i32 to index
      %get3A_149 = arith.constant 80 : index
      %get3A_150 = tpu.vector_load %arg9[%get3A_148, %get3A_149] {strides = array<i32>} : memref<80x128xf32, #tpu.memory_space<vmem>>, vector<1x16xf32>,
      %get3A_151 = vector.shape_cast %get3A_150 : vector<1x16xf32> to vector<16xf32>
      %get3A_152 = arith.index_cast %scan3A_78 : i32 to index
      %get3A_153 = arith.constant 80 : index
      %get3A_154 = tpu.vector_load %arg10[%get3A_152, %get3A_153] {strides = array<i32>} : memref<80x128xf32, #tpu.memory_space<vmem>>, vector<1x16xf32>,
      %get3A_155 = vector.shape_cast %get3A_154 : vector<1x16xf32> to vector<16xf32>
      %add3A_156 = arith.addf %get3A_151, %get3A_155 : vector<16xf32>
      %swap3A_157 = arith.index_cast %scan3A_78 : i32 to index
      %swap3A_158 = arith.constant 80 : index
      %swap3A_159 = tpu.vector_load %arg11[%swap3A_157, %swap3A_158] {strides = array<i32>} : memref<80x128xf32, #tpu.memory_space<vmem>>, vector<1x16xf32>,
      %swap3A_160 = vector.shape_cast %swap3A_159 : vector<1x16xf32> to vector<16xf32>
      %swap3A_161 = vector.shape_cast %add3A_156 : vector<16xf32> to vector<1x16xf32>
      tpu.vector_store %arg11[%swap3A_157, %swap3A_158], %swap3A_161 {strides = array<i32>} : memref<80x128xf32, #tpu.memory_space<vmem>>, vector<1x16xf32>,
      %get3A_162 = arith.index_cast %scan3A_78 : i32 to index
      %get3A_163 = arith.constant 96 : index
      %get3A_164 = tpu.vector_load %arg9[%get3A_162, %get3A_163] {strides = array<i32>} : memref<80x128xf32, #tpu.memory_space<vmem>>, vector<1x16xf32>,
      %get3A_165 = vector.shape_cast %get3A_164 : vector<1x16xf32> to vector<16xf32>
      %get3A_166 = arith.index_cast %scan3A_78 : i32 to index
      %get3A_167 = arith.constant 96 : index
      %get3A_168 = tpu.vector_load %arg10[%get3A_166, %get3A_167] {strides = array<i32>} : memref<80x128xf32, #tpu.memory_space<vmem>>, vector<1x16xf32>,
      %get3A_169 = vector.shape_cast %get3A_168 : vector<1x16xf32> to vector<16xf32>
      %add3A_170 = arith.addf %get3A_165, %get3A_169 : vector<16xf32>
      %swap3A_171 = arith.index_cast %scan3A_78 : i32 to index
      %swap3A_172 = arith.constant 96 : index
      %swap3A_173 = tpu.vector_load %arg11[%swap3A_171, %swap3A_172] {strides = array<i32>} : memref<80x128xf32, #tpu.memory_space<vmem>>, vector<1x16xf32>,
      %swap3A_174 = vector.shape_cast %swap3A_173 : vector<1x16xf32> to vector<16xf32>
      %swap3A_175 = vector.shape_cast %add3A_170 : vector<16xf32> to vector<1x16xf32>
      tpu.vector_store %arg11[%swap3A_171, %swap3A_172], %swap3A_175 {strides = array<i32>} : memref<80x128xf32, #tpu.memory_space<vmem>>, vector<1x16xf32>,
      %get3A_176 = arith.index_cast %scan3A_78 : i32 to index
      %get3A_177 = arith.constant 112 : index
      %get3A_178 = tpu.vector_load %arg9[%get3A_176, %get3A_177] {strides = array<i32>} : memref<80x128xf32, #tpu.memory_space<vmem>>, vector<1x16xf32>,
      %get3A_179 = vector.shape_cast %get3A_178 : vector<1x16xf32> to vector<16xf32>
      %get3A_180 = arith.index_cast %scan3A_78 : i32 to index
      %get3A_181 = arith.constant 112 : index
      %get3A_182 = tpu.vector_load %arg10[%get3A_180, %get3A_181] {strides = array<i32>} : memref<80x128xf32, #tpu.memory_space<vmem>>, vector<1x16xf32>,
      %get3A_183 = vector.shape_cast %get3A_182 : vector<1x16xf32> to vector<16xf32>
      %add3A_184 = arith.addf %get3A_179, %get3A_183 : vector<16xf32>
      %swap3A_185 = arith.index_cast %scan3A_78 : i32 to index
      %swap3A_186 = arith.constant 112 : index
      %swap3A_187 = tpu.vector_load %arg11[%swap3A_185, %swap3A_186] {strides = array<i32>} : memref<80x128xf32, #tpu.memory_space<vmem>>, vector<1x16xf32>,
      %swap3A_188 = vector.shape_cast %swap3A_187 : vector<1x16xf32> to vector<16xf32>
      %swap3A_189 = vector.shape_cast %add3A_184 : vector<16xf32> to vector<1x16xf32>
      tpu.vector_store %arg11[%swap3A_185, %swap3A_186], %swap3A_189 {strides = array<i32>} : memref<80x128xf32, #tpu.memory_space<vmem>>, vector<1x16xf32>,
      %scan3A_190 = arith.constant 0 : i32
      scf.yield %scan3A_190 : i32
    }
    %scan3A_53 = arith.constant 80 : i32
    %mul3A_54 = arith.constant 124 : i32
    %mul3A_55 = arith.constant 80 : i32
    %mul3A_56 = arith.muli %mul3A_54, %mul3A_55 : i32
    %add3A_57 = arith.addi %mul3A_4, %mul3A_56 : i32
    %dma_start3A_58 = arith.constant 0 : i32
    %dma_start3A_59 = tpu.memref_slice %arg6[%add3A_57, %dma_start3A_58] : memref<320000x128xf32, #tpu.memory_space<hbm>> -> memref<80x128xf32, #tpu.memory_space<hbm>>
    %dma_start3A_60 = arith.constant 0 : i32
    %dma_start3A_61 = tpu.memref_slice %arg6[%add3A_57, %dma_start3A_60] : memref<320000x128xf32, #tpu.memory_space<hbm>> -> memref<80x128xf32, #tpu.memory_space<hbm>>
    tpu.enqueue_dma source(%arg11 : memref<80x128xf32, #tpu.memory_space<vmem>>) target(%dma_start3A_61 : memref<80x128xf32, #tpu.memory_space<hbm>>) target_semaphore(%arg17 : memref<!tpu.dma_semaphore, #tpu.memory_space<semaphore_mem>>)
    %mul3A_62 = arith.constant 124 : i32
    %mul3A_63 = arith.constant 80 : i32
    %mul3A_64 = arith.muli %mul3A_62, %mul3A_63 : i32
    %add3A_65 = arith.addi %mul3A_4, %mul3A_64 : i32
    %dma_wait3A_66 = arith.constant 0 : i32
    %dma_wait3A_67 = tpu.memref_slice %arg6[%add3A_65, %dma_wait3A_66] : memref<320000x128xf32, #tpu.memory_space<hbm>> -> memref<80x128xf32, #tpu.memory_space<hbm>>
    %dma_wait3A_68 = arith.constant 0 : i32
    %dma_wait3A_69 = tpu.memref_slice %arg6[%add3A_65, %dma_wait3A_68] : memref<320000x128xf32, #tpu.memory_space<hbm>> -> memref<80x128xf32, #tpu.memory_space<hbm>>
    tpu.wait_dma2 semaphore(%arg17 : memref<!tpu.dma_semaphore, #tpu.memory_space<semaphore_mem>>) src(%arg11 : memref<80x128xf32, #tpu.memory_space<vmem>>) dst(%dma_wait3A_69 : memref<80x128xf32, #tpu.memory_space<hbm>>)
    %mul3A_70 = arith.constant 123 : i32
    %mul3A_71 = arith.constant 80 : i32
    %mul3A_72 = arith.muli %mul3A_70, %mul3A_71 : i32
    %add3A_73 = arith.addi %mul3A_4, %mul3A_72 : i32
    %dma_wait3A_74 = arith.constant 0 : i32
    %dma_wait3A_75 = tpu.memref_slice %arg6[%add3A_73, %dma_wait3A_74] : memref<320000x128xf32, #tpu.memory_space<hbm>> -> memref<80x128xf32, #tpu.memory_space<hbm>>
    %dma_wait3A_76 = arith.constant 0 : i32
    %dma_wait3A_77 = tpu.memref_slice %arg6[%add3A_73, %dma_wait3A_76] : memref<320000x128xf32, #tpu.memory_space<hbm>> -> memref<80x128xf32, #tpu.memory_space<hbm>>
    tpu.wait_dma2 semaphore(%arg18 : memref<!tpu.dma_semaphore, #tpu.memory_space<semaphore_mem>>) src(%arg14 : memref<80x128xf32, #tpu.memory_space<vmem>>) dst(%dma_wait3A_77 : memref<80x128xf32, #tpu.memory_space<hbm>>)
    return
  }
}

#map = affine_map<(d0, d1) -> (0, 0)>
#map1 = affine_map<(d0, d1) -> (0, 0, 0)>
module attributes {stable_mosaic.version = 14 : i64} {
  func.func @_scatter_body(%arg0: i32, %arg1: i32, %arg2: memref<320000x128xf32, #tpu.memory_space<hbm>>, %arg3: memref<32x125x80xi32, #tpu.memory_space<hbm>>, %arg4: memref<2x10000x128xf32, #tpu.memory_space<hbm>>, %arg5: memref<125x80xi32, #tpu.memory_space<vmem>>, %arg6: memref<80x128xf32, #tpu.memory_space<vmem>>, %arg7: memref<80x128xf32, #tpu.memory_space<vmem>>, %arg8: memref<80x128xf32, #tpu.memory_space<vmem>>, %arg9: memref<10000x128xf32, #tpu.memory_space<vmem_shared>>, %arg10: memref<!tpu.dma_semaphore, #tpu.memory_space<semaphore_mem>>, %arg11: memref<!tpu.dma_semaphore, #tpu.memory_space<semaphore_mem>>) attributes {dimension_semantics = [#tpu.dimension_semantics<core_parallel>, #tpu.dimension_semantics<subcore_parallel>], iteration_bounds = array<i64: 2, 16>, scalar_prefetch = 0 : i64, scratch_operands = 7 : i64, tpu.core_type = #tpu.core_type<sc_vector_subcore>, window_params = [{transform_indices = #map}, {transform_indices = #map1}, {transform_indices = #map1}]} {
    %mul3A = arith.constant 2 : i32
    %mul3A_0 = arith.muli %arg1, %mul3A : i32
    %add3A = arith.addi %mul3A_0, %arg0 : i32
    %mul3A_1 = arith.constant 125 : i32
    %mul3A_2 = arith.muli %add3A, %mul3A_1 : i32
    %mul3A_3 = arith.constant 80 : i32
    %mul3A_4 = arith.muli %mul3A_2, %mul3A_3 : i32
    %scan3A = arith.constant 0 : i32
    %scan3A_5 = arith.constant 0 : i32
    %scan3A_6 = arith.constant 80 : i32
    %scan3A_7 = arith.addi %scan3A_5, %scan3A_6 : i32
    %scan3A_8 = arith.constant 1 : i32
    %scan3A_9 = scf.for %scan3A_146 = %scan3A_5 to %scan3A_7 step %scan3A_8 iter_args(%scan3A_147 = %scan3A) -> (i32)  : i32 {
      %broadcast_in_dim3A = arith.constant 0.000000e+00 : f32
      %broadcast_in_dim3A_148 = vector.broadcast %broadcast_in_dim3A : f32 to vector<16xf32>
      %swap3A = arith.index_cast %scan3A_146 : i32 to index
      %swap3A_149 = arith.constant 0 : index
      %swap3A_150 = tpu.vector_load %arg8[%swap3A, %swap3A_149] {strides = array<i32>} : memref<80x128xf32, #tpu.memory_space<vmem>>, vector<1x16xf32>,
      %swap3A_151 = vector.shape_cast %swap3A_150 : vector<1x16xf32> to vector<16xf32>
      %swap3A_152 = vector.shape_cast %broadcast_in_dim3A_148 : vector<16xf32> to vector<1x16xf32>
      tpu.vector_store %arg8[%swap3A, %swap3A_149], %swap3A_152 {strides = array<i32>} : memref<80x128xf32, #tpu.memory_space<vmem>>, vector<1x16xf32>,
      %broadcast_in_dim3A_153 = arith.constant 0.000000e+00 : f32
      %broadcast_in_dim3A_154 = vector.broadcast %broadcast_in_dim3A_153 : f32 to vector<16xf32>
      %swap3A_155 = arith.index_cast %scan3A_146 : i32 to index
      %swap3A_156 = arith.constant 16 : index
      %swap3A_157 = tpu.vector_load %arg8[%swap3A_155, %swap3A_156] {strides = array<i32>} : memref<80x128xf32, #tpu.memory_space<vmem>>, vector<1x16xf32>,
      %swap3A_158 = vector.shape_cast %swap3A_157 : vector<1x16xf32> to vector<16xf32>
      %swap3A_159 = vector.shape_cast %broadcast_in_dim3A_154 : vector<16xf32> to vector<1x16xf32>
      tpu.vector_store %arg8[%swap3A_155, %swap3A_156], %swap3A_159 {strides = array<i32>} : memref<80x128xf32, #tpu.memory_space<vmem>>, vector<1x16xf32>,
      %broadcast_in_dim3A_160 = arith.constant 0.000000e+00 : f32
      %broadcast_in_dim3A_161 = vector.broadcast %broadcast_in_dim3A_160 : f32 to vector<16xf32>
      %swap3A_162 = arith.index_cast %scan3A_146 : i32 to index
      %swap3A_163 = arith.constant 32 : index
      %swap3A_164 = tpu.vector_load %arg8[%swap3A_162, %swap3A_163] {strides = array<i32>} : memref<80x128xf32, #tpu.memory_space<vmem>>, vector<1x16xf32>,
      %swap3A_165 = vector.shape_cast %swap3A_164 : vector<1x16xf32> to vector<16xf32>
      %swap3A_166 = vector.shape_cast %broadcast_in_dim3A_161 : vector<16xf32> to vector<1x16xf32>
      tpu.vector_store %arg8[%swap3A_162, %swap3A_163], %swap3A_166 {strides = array<i32>} : memref<80x128xf32, #tpu.memory_space<vmem>>, vector<1x16xf32>,
      %broadcast_in_dim3A_167 = arith.constant 0.000000e+00 : f32
      %broadcast_in_dim3A_168 = vector.broadcast %broadcast_in_dim3A_167 : f32 to vector<16xf32>
      %swap3A_169 = arith.index_cast %scan3A_146 : i32 to index
      %swap3A_170 = arith.constant 48 : index
      %swap3A_171 = tpu.vector_load %arg8[%swap3A_169, %swap3A_170] {strides = array<i32>} : memref<80x128xf32, #tpu.memory_space<vmem>>, vector<1x16xf32>,
      %swap3A_172 = vector.shape_cast %swap3A_171 : vector<1x16xf32> to vector<16xf32>
      %swap3A_173 = vector.shape_cast %broadcast_in_dim3A_168 : vector<16xf32> to vector<1x16xf32>
      tpu.vector_store %arg8[%swap3A_169, %swap3A_170], %swap3A_173 {strides = array<i32>} : memref<80x128xf32, #tpu.memory_space<vmem>>, vector<1x16xf32>,
      %broadcast_in_dim3A_174 = arith.constant 0.000000e+00 : f32
      %broadcast_in_dim3A_175 = vector.broadcast %broadcast_in_dim3A_174 : f32 to vector<16xf32>
      %swap3A_176 = arith.index_cast %scan3A_146 : i32 to index
      %swap3A_177 = arith.constant 64 : index
      %swap3A_178 = tpu.vector_load %arg8[%swap3A_176, %swap3A_177] {strides = array<i32>} : memref<80x128xf32, #tpu.memory_space<vmem>>, vector<1x16xf32>,
      %swap3A_179 = vector.shape_cast %swap3A_178 : vector<1x16xf32> to vector<16xf32>
      %swap3A_180 = vector.shape_cast %broadcast_in_dim3A_175 : vector<16xf32> to vector<1x16xf32>
      tpu.vector_store %arg8[%swap3A_176, %swap3A_177], %swap3A_180 {strides = array<i32>} : memref<80x128xf32, #tpu.memory_space<vmem>>, vector<1x16xf32>,
      %broadcast_in_dim3A_181 = arith.constant 0.000000e+00 : f32
      %broadcast_in_dim3A_182 = vector.broadcast %broadcast_in_dim3A_181 : f32 to vector<16xf32>
      %swap3A_183 = arith.index_cast %scan3A_146 : i32 to index
      %swap3A_184 = arith.constant 80 : index
      %swap3A_185 = tpu.vector_load %arg8[%swap3A_183, %swap3A_184] {strides = array<i32>} : memref<80x128xf32, #tpu.memory_space<vmem>>, vector<1x16xf32>,
      %swap3A_186 = vector.shape_cast %swap3A_185 : vector<1x16xf32> to vector<16xf32>
      %swap3A_187 = vector.shape_cast %broadcast_in_dim3A_182 : vector<16xf32> to vector<1x16xf32>
      tpu.vector_store %arg8[%swap3A_183, %swap3A_184], %swap3A_187 {strides = array<i32>} : memref<80x128xf32, #tpu.memory_space<vmem>>, vector<1x16xf32>,
      %broadcast_in_dim3A_188 = arith.constant 0.000000e+00 : f32
      %broadcast_in_dim3A_189 = vector.broadcast %broadcast_in_dim3A_188 : f32 to vector<16xf32>
      %swap3A_190 = arith.index_cast %scan3A_146 : i32 to index
      %swap3A_191 = arith.constant 96 : index
      %swap3A_192 = tpu.vector_load %arg8[%swap3A_190, %swap3A_191] {strides = array<i32>} : memref<80x128xf32, #tpu.memory_space<vmem>>, vector<1x16xf32>,
      %swap3A_193 = vector.shape_cast %swap3A_192 : vector<1x16xf32> to vector<16xf32>
      %swap3A_194 = vector.shape_cast %broadcast_in_dim3A_189 : vector<16xf32> to vector<1x16xf32>
      tpu.vector_store %arg8[%swap3A_190, %swap3A_191], %swap3A_194 {strides = array<i32>} : memref<80x128xf32, #tpu.memory_space<vmem>>, vector<1x16xf32>,
      %broadcast_in_dim3A_195 = arith.constant 0.000000e+00 : f32
      %broadcast_in_dim3A_196 = vector.broadcast %broadcast_in_dim3A_195 : f32 to vector<16xf32>
      %swap3A_197 = arith.index_cast %scan3A_146 : i32 to index
      %swap3A_198 = arith.constant 112 : index
      %swap3A_199 = tpu.vector_load %arg8[%swap3A_197, %swap3A_198] {strides = array<i32>} : memref<80x128xf32, #tpu.memory_space<vmem>>, vector<1x16xf32>,
      %swap3A_200 = vector.shape_cast %swap3A_199 : vector<1x16xf32> to vector<16xf32>
      %swap3A_201 = vector.shape_cast %broadcast_in_dim3A_196 : vector<16xf32> to vector<1x16xf32>
      tpu.vector_store %arg8[%swap3A_197, %swap3A_198], %swap3A_201 {strides = array<i32>} : memref<80x128xf32, #tpu.memory_space<vmem>>, vector<1x16xf32>,
      %scan3A_202 = arith.constant 0 : i32
      scf.yield %scan3A_202 : i32
    }
    %scan3A_10 = arith.constant 80 : i32
    %add3A_11 = arith.constant 0 : i32
    %add3A_12 = arith.addi %arg1, %add3A_11 : i32
    %lt3A = arith.constant 125 : i32
    %lt3A_13 = arith.cmpi slt, %add3A_12, %lt3A : i32
    %convert_element_type3A = arith.extui %lt3A_13 : i1 to i32
    %cond3A = arith.constant 0 : i32
    %cond3A_14 = arith.cmpi ne, %convert_element_type3A, %cond3A : i32
    scf.if %cond3A_14 {
      %mul3A_146 = arith.constant 80 : i32
      %mul3A_147 = arith.muli %add3A_12, %mul3A_146 : i32
      "tpu.region"() ({
        %run_scoped3A_148 = tpu.sem_alloc : memref<!tpu.dma_semaphore, #tpu.memory_space<semaphore_mem>>
        %dma_start3A_149 = arith.constant 0 : i32
        %dma_start3A_150 = tpu.memref_slice %arg9[%mul3A_147, %dma_start3A_149] : memref<10000x128xf32, #tpu.memory_space<vmem_shared>> -> memref<80x128xf32, #tpu.memory_space<vmem_shared>>
        %dma_start3A_151 = arith.constant 0 : i32
        %dma_start3A_152 = tpu.memref_slice %arg9[%mul3A_147, %dma_start3A_151] : memref<10000x128xf32, #tpu.memory_space<vmem_shared>> -> memref<80x128xf32, #tpu.memory_space<vmem_shared>>
        tpu.enqueue_dma source(%arg8 : memref<80x128xf32, #tpu.memory_space<vmem>>) target(%dma_start3A_152 : memref<80x128xf32, #tpu.memory_space<vmem_shared>>) target_semaphore(%run_scoped3A_148 : memref<!tpu.dma_semaphore, #tpu.memory_space<semaphore_mem>>)
        %dma_wait3A_153 = arith.constant 0 : i32
        %dma_wait3A_154 = tpu.memref_slice %arg9[%mul3A_147, %dma_wait3A_153] : memref<10000x128xf32, #tpu.memory_space<vmem_shared>> -> memref<80x128xf32, #tpu.memory_space<vmem_shared>>
        %dma_wait3A_155 = arith.constant 0 : i32
        %dma_wait3A_156 = tpu.memref_slice %arg9[%mul3A_147, %dma_wait3A_155] : memref<10000x128xf32, #tpu.memory_space<vmem_shared>> -> memref<80x128xf32, #tpu.memory_space<vmem_shared>>
        tpu.wait_dma2 semaphore(%run_scoped3A_148 : memref<!tpu.dma_semaphore, #tpu.memory_space<semaphore_mem>>) src(%arg8 : memref<80x128xf32, #tpu.memory_space<vmem>>) dst(%dma_wait3A_156 : memref<80x128xf32, #tpu.memory_space<vmem_shared>>)
        tpu.yield
      }) : () -> ()
    } else {
    }
    %add3A_15 = arith.constant 16 : i32
    %add3A_16 = arith.addi %arg1, %add3A_15 : i32
    %lt3A_17 = arith.constant 125 : i32
    %lt3A_18 = arith.cmpi slt, %add3A_16, %lt3A_17 : i32
    %convert_element_type3A_19 = arith.extui %lt3A_18 : i1 to i32
    %cond3A_20 = arith.constant 0 : i32
    %cond3A_21 = arith.cmpi ne, %convert_element_type3A_19, %cond3A_20 : i32
    scf.if %cond3A_21 {
      %mul3A_146 = arith.constant 80 : i32
      %mul3A_147 = arith.muli %add3A_16, %mul3A_146 : i32
      "tpu.region"() ({
        %run_scoped3A_148 = tpu.sem_alloc : memref<!tpu.dma_semaphore, #tpu.memory_space<semaphore_mem>>
        %dma_start3A_149 = arith.constant 0 : i32
        %dma_start3A_150 = tpu.memref_slice %arg9[%mul3A_147, %dma_start3A_149] : memref<10000x128xf32, #tpu.memory_space<vmem_shared>> -> memref<80x128xf32, #tpu.memory_space<vmem_shared>>
        %dma_start3A_151 = arith.constant 0 : i32
        %dma_start3A_152 = tpu.memref_slice %arg9[%mul3A_147, %dma_start3A_151] : memref<10000x128xf32, #tpu.memory_space<vmem_shared>> -> memref<80x128xf32, #tpu.memory_space<vmem_shared>>
        tpu.enqueue_dma source(%arg8 : memref<80x128xf32, #tpu.memory_space<vmem>>) target(%dma_start3A_152 : memref<80x128xf32, #tpu.memory_space<vmem_shared>>) target_semaphore(%run_scoped3A_148 : memref<!tpu.dma_semaphore, #tpu.memory_space<semaphore_mem>>)
        %dma_wait3A_153 = arith.constant 0 : i32
        %dma_wait3A_154 = tpu.memref_slice %arg9[%mul3A_147, %dma_wait3A_153] : memref<10000x128xf32, #tpu.memory_space<vmem_shared>> -> memref<80x128xf32, #tpu.memory_space<vmem_shared>>
        %dma_wait3A_155 = arith.constant 0 : i32
        %dma_wait3A_156 = tpu.memref_slice %arg9[%mul3A_147, %dma_wait3A_155] : memref<10000x128xf32, #tpu.memory_space<vmem_shared>> -> memref<80x128xf32, #tpu.memory_space<vmem_shared>>
        tpu.wait_dma2 semaphore(%run_scoped3A_148 : memref<!tpu.dma_semaphore, #tpu.memory_space<semaphore_mem>>) src(%arg8 : memref<80x128xf32, #tpu.memory_space<vmem>>) dst(%dma_wait3A_156 : memref<80x128xf32, #tpu.memory_space<vmem_shared>>)
        tpu.yield
      }) : () -> ()
    } else {
    }
    %add3A_22 = arith.constant 32 : i32
    %add3A_23 = arith.addi %arg1, %add3A_22 : i32
    %lt3A_24 = arith.constant 125 : i32
    %lt3A_25 = arith.cmpi slt, %add3A_23, %lt3A_24 : i32
    %convert_element_type3A_26 = arith.extui %lt3A_25 : i1 to i32
    %cond3A_27 = arith.constant 0 : i32
    %cond3A_28 = arith.cmpi ne, %convert_element_type3A_26, %cond3A_27 : i32
    scf.if %cond3A_28 {
      %mul3A_146 = arith.constant 80 : i32
      %mul3A_147 = arith.muli %add3A_23, %mul3A_146 : i32
      "tpu.region"() ({
        %run_scoped3A_148 = tpu.sem_alloc : memref<!tpu.dma_semaphore, #tpu.memory_space<semaphore_mem>>
        %dma_start3A_149 = arith.constant 0 : i32
        %dma_start3A_150 = tpu.memref_slice %arg9[%mul3A_147, %dma_start3A_149] : memref<10000x128xf32, #tpu.memory_space<vmem_shared>> -> memref<80x128xf32, #tpu.memory_space<vmem_shared>>
        %dma_start3A_151 = arith.constant 0 : i32
        %dma_start3A_152 = tpu.memref_slice %arg9[%mul3A_147, %dma_start3A_151] : memref<10000x128xf32, #tpu.memory_space<vmem_shared>> -> memref<80x128xf32, #tpu.memory_space<vmem_shared>>
        tpu.enqueue_dma source(%arg8 : memref<80x128xf32, #tpu.memory_space<vmem>>) target(%dma_start3A_152 : memref<80x128xf32, #tpu.memory_space<vmem_shared>>) target_semaphore(%run_scoped3A_148 : memref<!tpu.dma_semaphore, #tpu.memory_space<semaphore_mem>>)
        %dma_wait3A_153 = arith.constant 0 : i32
        %dma_wait3A_154 = tpu.memref_slice %arg9[%mul3A_147, %dma_wait3A_153] : memref<10000x128xf32, #tpu.memory_space<vmem_shared>> -> memref<80x128xf32, #tpu.memory_space<vmem_shared>>
        %dma_wait3A_155 = arith.constant 0 : i32
        %dma_wait3A_156 = tpu.memref_slice %arg9[%mul3A_147, %dma_wait3A_155] : memref<10000x128xf32, #tpu.memory_space<vmem_shared>> -> memref<80x128xf32, #tpu.memory_space<vmem_shared>>
        tpu.wait_dma2 semaphore(%run_scoped3A_148 : memref<!tpu.dma_semaphore, #tpu.memory_space<semaphore_mem>>) src(%arg8 : memref<80x128xf32, #tpu.memory_space<vmem>>) dst(%dma_wait3A_156 : memref<80x128xf32, #tpu.memory_space<vmem_shared>>)
        tpu.yield
      }) : () -> ()
    } else {
    }
    %add3A_29 = arith.constant 48 : i32
    %add3A_30 = arith.addi %arg1, %add3A_29 : i32
    %lt3A_31 = arith.constant 125 : i32
    %lt3A_32 = arith.cmpi slt, %add3A_30, %lt3A_31 : i32
    %convert_element_type3A_33 = arith.extui %lt3A_32 : i1 to i32
    %cond3A_34 = arith.constant 0 : i32
    %cond3A_35 = arith.cmpi ne, %convert_element_type3A_33, %cond3A_34 : i32
    scf.if %cond3A_35 {
      %mul3A_146 = arith.constant 80 : i32
      %mul3A_147 = arith.muli %add3A_30, %mul3A_146 : i32
      "tpu.region"() ({
        %run_scoped3A_148 = tpu.sem_alloc : memref<!tpu.dma_semaphore, #tpu.memory_space<semaphore_mem>>
        %dma_start3A_149 = arith.constant 0 : i32
        %dma_start3A_150 = tpu.memref_slice %arg9[%mul3A_147, %dma_start3A_149] : memref<10000x128xf32, #tpu.memory_space<vmem_shared>> -> memref<80x128xf32, #tpu.memory_space<vmem_shared>>
        %dma_start3A_151 = arith.constant 0 : i32
        %dma_start3A_152 = tpu.memref_slice %arg9[%mul3A_147, %dma_start3A_151] : memref<10000x128xf32, #tpu.memory_space<vmem_shared>> -> memref<80x128xf32, #tpu.memory_space<vmem_shared>>
        tpu.enqueue_dma source(%arg8 : memref<80x128xf32, #tpu.memory_space<vmem>>) target(%dma_start3A_152 : memref<80x128xf32, #tpu.memory_space<vmem_shared>>) target_semaphore(%run_scoped3A_148 : memref<!tpu.dma_semaphore, #tpu.memory_space<semaphore_mem>>)
        %dma_wait3A_153 = arith.constant 0 : i32
        %dma_wait3A_154 = tpu.memref_slice %arg9[%mul3A_147, %dma_wait3A_153] : memref<10000x128xf32, #tpu.memory_space<vmem_shared>> -> memref<80x128xf32, #tpu.memory_space<vmem_shared>>
        %dma_wait3A_155 = arith.constant 0 : i32
        %dma_wait3A_156 = tpu.memref_slice %arg9[%mul3A_147, %dma_wait3A_155] : memref<10000x128xf32, #tpu.memory_space<vmem_shared>> -> memref<80x128xf32, #tpu.memory_space<vmem_shared>>
        tpu.wait_dma2 semaphore(%run_scoped3A_148 : memref<!tpu.dma_semaphore, #tpu.memory_space<semaphore_mem>>) src(%arg8 : memref<80x128xf32, #tpu.memory_space<vmem>>) dst(%dma_wait3A_156 : memref<80x128xf32, #tpu.memory_space<vmem_shared>>)
        tpu.yield
      }) : () -> ()
    } else {
    }
    %add3A_36 = arith.constant 64 : i32
    %add3A_37 = arith.addi %arg1, %add3A_36 : i32
    %lt3A_38 = arith.constant 125 : i32
    %lt3A_39 = arith.cmpi slt, %add3A_37, %lt3A_38 : i32
    %convert_element_type3A_40 = arith.extui %lt3A_39 : i1 to i32
    %cond3A_41 = arith.constant 0 : i32
    %cond3A_42 = arith.cmpi ne, %convert_element_type3A_40, %cond3A_41 : i32
    scf.if %cond3A_42 {
      %mul3A_146 = arith.constant 80 : i32
      %mul3A_147 = arith.muli %add3A_37, %mul3A_146 : i32
      "tpu.region"() ({
        %run_scoped3A_148 = tpu.sem_alloc : memref<!tpu.dma_semaphore, #tpu.memory_space<semaphore_mem>>
        %dma_start3A_149 = arith.constant 0 : i32
        %dma_start3A_150 = tpu.memref_slice %arg9[%mul3A_147, %dma_start3A_149] : memref<10000x128xf32, #tpu.memory_space<vmem_shared>> -> memref<80x128xf32, #tpu.memory_space<vmem_shared>>
        %dma_start3A_151 = arith.constant 0 : i32
        %dma_start3A_152 = tpu.memref_slice %arg9[%mul3A_147, %dma_start3A_151] : memref<10000x128xf32, #tpu.memory_space<vmem_shared>> -> memref<80x128xf32, #tpu.memory_space<vmem_shared>>
        tpu.enqueue_dma source(%arg8 : memref<80x128xf32, #tpu.memory_space<vmem>>) target(%dma_start3A_152 : memref<80x128xf32, #tpu.memory_space<vmem_shared>>) target_semaphore(%run_scoped3A_148 : memref<!tpu.dma_semaphore, #tpu.memory_space<semaphore_mem>>)
        %dma_wait3A_153 = arith.constant 0 : i32
        %dma_wait3A_154 = tpu.memref_slice %arg9[%mul3A_147, %dma_wait3A_153] : memref<10000x128xf32, #tpu.memory_space<vmem_shared>> -> memref<80x128xf32, #tpu.memory_space<vmem_shared>>
        %dma_wait3A_155 = arith.constant 0 : i32
        %dma_wait3A_156 = tpu.memref_slice %arg9[%mul3A_147, %dma_wait3A_155] : memref<10000x128xf32, #tpu.memory_space<vmem_shared>> -> memref<80x128xf32, #tpu.memory_space<vmem_shared>>
        tpu.wait_dma2 semaphore(%run_scoped3A_148 : memref<!tpu.dma_semaphore, #tpu.memory_space<semaphore_mem>>) src(%arg8 : memref<80x128xf32, #tpu.memory_space<vmem>>) dst(%dma_wait3A_156 : memref<80x128xf32, #tpu.memory_space<vmem_shared>>)
        tpu.yield
      }) : () -> ()
    } else {
    }
    %add3A_43 = arith.constant 80 : i32
    %add3A_44 = arith.addi %arg1, %add3A_43 : i32
    %lt3A_45 = arith.constant 125 : i32
    %lt3A_46 = arith.cmpi slt, %add3A_44, %lt3A_45 : i32
    %convert_element_type3A_47 = arith.extui %lt3A_46 : i1 to i32
    %cond3A_48 = arith.constant 0 : i32
    %cond3A_49 = arith.cmpi ne, %convert_element_type3A_47, %cond3A_48 : i32
    scf.if %cond3A_49 {
      %mul3A_146 = arith.constant 80 : i32
      %mul3A_147 = arith.muli %add3A_44, %mul3A_146 : i32
      "tpu.region"() ({
        %run_scoped3A_148 = tpu.sem_alloc : memref<!tpu.dma_semaphore, #tpu.memory_space<semaphore_mem>>
        %dma_start3A_149 = arith.constant 0 : i32
        %dma_start3A_150 = tpu.memref_slice %arg9[%mul3A_147, %dma_start3A_149] : memref<10000x128xf32, #tpu.memory_space<vmem_shared>> -> memref<80x128xf32, #tpu.memory_space<vmem_shared>>
        %dma_start3A_151 = arith.constant 0 : i32
        %dma_start3A_152 = tpu.memref_slice %arg9[%mul3A_147, %dma_start3A_151] : memref<10000x128xf32, #tpu.memory_space<vmem_shared>> -> memref<80x128xf32, #tpu.memory_space<vmem_shared>>
        tpu.enqueue_dma source(%arg8 : memref<80x128xf32, #tpu.memory_space<vmem>>) target(%dma_start3A_152 : memref<80x128xf32, #tpu.memory_space<vmem_shared>>) target_semaphore(%run_scoped3A_148 : memref<!tpu.dma_semaphore, #tpu.memory_space<semaphore_mem>>)
        %dma_wait3A_153 = arith.constant 0 : i32
        %dma_wait3A_154 = tpu.memref_slice %arg9[%mul3A_147, %dma_wait3A_153] : memref<10000x128xf32, #tpu.memory_space<vmem_shared>> -> memref<80x128xf32, #tpu.memory_space<vmem_shared>>
        %dma_wait3A_155 = arith.constant 0 : i32
        %dma_wait3A_156 = tpu.memref_slice %arg9[%mul3A_147, %dma_wait3A_155] : memref<10000x128xf32, #tpu.memory_space<vmem_shared>> -> memref<80x128xf32, #tpu.memory_space<vmem_shared>>
        tpu.wait_dma2 semaphore(%run_scoped3A_148 : memref<!tpu.dma_semaphore, #tpu.memory_space<semaphore_mem>>) src(%arg8 : memref<80x128xf32, #tpu.memory_space<vmem>>) dst(%dma_wait3A_156 : memref<80x128xf32, #tpu.memory_space<vmem_shared>>)
        tpu.yield
      }) : () -> ()
    } else {
    }
    %add3A_50 = arith.constant 96 : i32
    %add3A_51 = arith.addi %arg1, %add3A_50 : i32
    %lt3A_52 = arith.constant 125 : i32
    %lt3A_53 = arith.cmpi slt, %add3A_51, %lt3A_52 : i32
    %convert_element_type3A_54 = arith.extui %lt3A_53 : i1 to i32
    %cond3A_55 = arith.constant 0 : i32
    %cond3A_56 = arith.cmpi ne, %convert_element_type3A_54, %cond3A_55 : i32
    scf.if %cond3A_56 {
      %mul3A_146 = arith.constant 80 : i32
      %mul3A_147 = arith.muli %add3A_51, %mul3A_146 : i32
      "tpu.region"() ({
        %run_scoped3A_148 = tpu.sem_alloc : memref<!tpu.dma_semaphore, #tpu.memory_space<semaphore_mem>>
        %dma_start3A_149 = arith.constant 0 : i32
        %dma_start3A_150 = tpu.memref_slice %arg9[%mul3A_147, %dma_start3A_149] : memref<10000x128xf32, #tpu.memory_space<vmem_shared>> -> memref<80x128xf32, #tpu.memory_space<vmem_shared>>
        %dma_start3A_151 = arith.constant 0 : i32
        %dma_start3A_152 = tpu.memref_slice %arg9[%mul3A_147, %dma_start3A_151] : memref<10000x128xf32, #tpu.memory_space<vmem_shared>> -> memref<80x128xf32, #tpu.memory_space<vmem_shared>>
        tpu.enqueue_dma source(%arg8 : memref<80x128xf32, #tpu.memory_space<vmem>>) target(%dma_start3A_152 : memref<80x128xf32, #tpu.memory_space<vmem_shared>>) target_semaphore(%run_scoped3A_148 : memref<!tpu.dma_semaphore, #tpu.memory_space<semaphore_mem>>)
        %dma_wait3A_153 = arith.constant 0 : i32
        %dma_wait3A_154 = tpu.memref_slice %arg9[%mul3A_147, %dma_wait3A_153] : memref<10000x128xf32, #tpu.memory_space<vmem_shared>> -> memref<80x128xf32, #tpu.memory_space<vmem_shared>>
        %dma_wait3A_155 = arith.constant 0 : i32
        %dma_wait3A_156 = tpu.memref_slice %arg9[%mul3A_147, %dma_wait3A_155] : memref<10000x128xf32, #tpu.memory_space<vmem_shared>> -> memref<80x128xf32, #tpu.memory_space<vmem_shared>>
        tpu.wait_dma2 semaphore(%run_scoped3A_148 : memref<!tpu.dma_semaphore, #tpu.memory_space<semaphore_mem>>) src(%arg8 : memref<80x128xf32, #tpu.memory_space<vmem>>) dst(%dma_wait3A_156 : memref<80x128xf32, #tpu.memory_space<vmem_shared>>)
        tpu.yield
      }) : () -> ()
    } else {
    }
    %add3A_57 = arith.constant 112 : i32
    %add3A_58 = arith.addi %arg1, %add3A_57 : i32
    %lt3A_59 = arith.constant 125 : i32
    %lt3A_60 = arith.cmpi slt, %add3A_58, %lt3A_59 : i32
    %convert_element_type3A_61 = arith.extui %lt3A_60 : i1 to i32
    %cond3A_62 = arith.constant 0 : i32
    %cond3A_63 = arith.cmpi ne, %convert_element_type3A_61, %cond3A_62 : i32
    scf.if %cond3A_63 {
      %mul3A_146 = arith.constant 80 : i32
      %mul3A_147 = arith.muli %add3A_58, %mul3A_146 : i32
      "tpu.region"() ({
        %run_scoped3A_148 = tpu.sem_alloc : memref<!tpu.dma_semaphore, #tpu.memory_space<semaphore_mem>>
        %dma_start3A_149 = arith.constant 0 : i32
        %dma_start3A_150 = tpu.memref_slice %arg9[%mul3A_147, %dma_start3A_149] : memref<10000x128xf32, #tpu.memory_space<vmem_shared>> -> memref<80x128xf32, #tpu.memory_space<vmem_shared>>
        %dma_start3A_151 = arith.constant 0 : i32
        %dma_start3A_152 = tpu.memref_slice %arg9[%mul3A_147, %dma_start3A_151] : memref<10000x128xf32, #tpu.memory_space<vmem_shared>> -> memref<80x128xf32, #tpu.memory_space<vmem_shared>>
        tpu.enqueue_dma source(%arg8 : memref<80x128xf32, #tpu.memory_space<vmem>>) target(%dma_start3A_152 : memref<80x128xf32, #tpu.memory_space<vmem_shared>>) target_semaphore(%run_scoped3A_148 : memref<!tpu.dma_semaphore, #tpu.memory_space<semaphore_mem>>)
        %dma_wait3A_153 = arith.constant 0 : i32
        %dma_wait3A_154 = tpu.memref_slice %arg9[%mul3A_147, %dma_wait3A_153] : memref<10000x128xf32, #tpu.memory_space<vmem_shared>> -> memref<80x128xf32, #tpu.memory_space<vmem_shared>>
        %dma_wait3A_155 = arith.constant 0 : i32
        %dma_wait3A_156 = tpu.memref_slice %arg9[%mul3A_147, %dma_wait3A_155] : memref<10000x128xf32, #tpu.memory_space<vmem_shared>> -> memref<80x128xf32, #tpu.memory_space<vmem_shared>>
        tpu.wait_dma2 semaphore(%run_scoped3A_148 : memref<!tpu.dma_semaphore, #tpu.memory_space<semaphore_mem>>) src(%arg8 : memref<80x128xf32, #tpu.memory_space<vmem>>) dst(%dma_wait3A_156 : memref<80x128xf32, #tpu.memory_space<vmem_shared>>)
        tpu.yield
      }) : () -> ()
    } else {
    }
    %barrier3A = arith.constant 0 : index
    tpu.barrier barrier_id(%barrier3A)
    "tpu.region"() ({
      %run_scoped3A_146 = tpu.sem_alloc : memref<!tpu.dma_semaphore, #tpu.memory_space<semaphore_mem>>
      %dma_start3A_147 = arith.constant 0 : i32
      %dma_start3A_148 = arith.constant 0 : i32
      %dma_start3A_149 = tpu.memref_slice %arg3[%add3A, %dma_start3A_147, %dma_start3A_148] : memref<32x125x80xi32, #tpu.memory_space<hbm>> -> memref<1x125x80xi32, #tpu.memory_space<hbm>>
      %dma_start3A_150 = tpu.memref_squeeze %dma_start3A_149 : memref<1x125x80xi32, #tpu.memory_space<hbm>> -> memref<125x80xi32, #tpu.memory_space<hbm>>
      %dma_start3A_151 = arith.constant 0 : i32
      %dma_start3A_152 = arith.constant 0 : i32
      %dma_start3A_153 = tpu.memref_slice %arg3[%add3A, %dma_start3A_151, %dma_start3A_152] : memref<32x125x80xi32, #tpu.memory_space<hbm>> -> memref<1x125x80xi32, #tpu.memory_space<hbm>>
      %dma_start3A_154 = tpu.memref_squeeze %dma_start3A_153 : memref<1x125x80xi32, #tpu.memory_space<hbm>> -> memref<125x80xi32, #tpu.memory_space<hbm>>
      tpu.enqueue_dma source(%dma_start3A_154 : memref<125x80xi32, #tpu.memory_space<hbm>>) target(%arg5 : memref<125x80xi32, #tpu.memory_space<vmem>>) target_semaphore(%run_scoped3A_146 : memref<!tpu.dma_semaphore, #tpu.memory_space<semaphore_mem>>)
      %dma_wait3A_155 = arith.constant 0 : i32
      %dma_wait3A_156 = arith.constant 0 : i32
      %dma_wait3A_157 = tpu.memref_slice %arg3[%add3A, %dma_wait3A_155, %dma_wait3A_156] : memref<32x125x80xi32, #tpu.memory_space<hbm>> -> memref<1x125x80xi32, #tpu.memory_space<hbm>>
      %dma_wait3A_158 = tpu.memref_squeeze %dma_wait3A_157 : memref<1x125x80xi32, #tpu.memory_space<hbm>> -> memref<125x80xi32, #tpu.memory_space<hbm>>
      %dma_wait3A_159 = arith.constant 0 : i32
      %dma_wait3A_160 = arith.constant 0 : i32
      %dma_wait3A_161 = tpu.memref_slice %arg3[%add3A, %dma_wait3A_159, %dma_wait3A_160] : memref<32x125x80xi32, #tpu.memory_space<hbm>> -> memref<1x125x80xi32, #tpu.memory_space<hbm>>
      %dma_wait3A_162 = tpu.memref_squeeze %dma_wait3A_161 : memref<1x125x80xi32, #tpu.memory_space<hbm>> -> memref<125x80xi32, #tpu.memory_space<hbm>>
      tpu.wait_dma2 semaphore(%run_scoped3A_146 : memref<!tpu.dma_semaphore, #tpu.memory_space<semaphore_mem>>) src(%dma_wait3A_162 : memref<125x80xi32, #tpu.memory_space<hbm>>) dst(%arg5 : memref<125x80xi32, #tpu.memory_space<vmem>>)
      tpu.yield
    }) : () -> ()
    %add3A_64 = arith.constant 0 : i32
    %add3A_65 = arith.addi %mul3A_4, %add3A_64 : i32
    %dma_start3A = arith.constant 0 : i32
    %dma_start3A_66 = tpu.memref_slice %arg2[%add3A_65, %dma_start3A] : memref<320000x128xf32, #tpu.memory_space<hbm>> -> memref<80x128xf32, #tpu.memory_space<hbm>>
    %dma_start3A_67 = arith.constant 0 : i32
    %dma_start3A_68 = tpu.memref_slice %arg2[%add3A_65, %dma_start3A_67] : memref<320000x128xf32, #tpu.memory_space<hbm>> -> memref<80x128xf32, #tpu.memory_space<hbm>>
    tpu.enqueue_dma source(%dma_start3A_68 : memref<80x128xf32, #tpu.memory_space<hbm>>) target(%arg6 : memref<80x128xf32, #tpu.memory_space<vmem>>) target_semaphore(%arg10 : memref<!tpu.dma_semaphore, #tpu.memory_space<semaphore_mem>>)
    %add3A_69 = arith.constant 80 : i32
    %add3A_70 = arith.addi %mul3A_4, %add3A_69 : i32
    %dma_start3A_71 = arith.constant 0 : i32
    %dma_start3A_72 = tpu.memref_slice %arg2[%add3A_70, %dma_start3A_71] : memref<320000x128xf32, #tpu.memory_space<hbm>> -> memref<80x128xf32, #tpu.memory_space<hbm>>
    %dma_start3A_73 = arith.constant 0 : i32
    %dma_start3A_74 = tpu.memref_slice %arg2[%add3A_70, %dma_start3A_73] : memref<320000x128xf32, #tpu.memory_space<hbm>> -> memref<80x128xf32, #tpu.memory_space<hbm>>
    tpu.enqueue_dma source(%dma_start3A_74 : memref<80x128xf32, #tpu.memory_space<hbm>>) target(%arg7 : memref<80x128xf32, #tpu.memory_space<vmem>>) target_semaphore(%arg11 : memref<!tpu.dma_semaphore, #tpu.memory_space<semaphore_mem>>)
    %scan3A_75 = arith.constant 0 : i32
    %scan3A_76 = arith.constant 0 : i32
    %scan3A_77 = arith.constant 62 : i32
    %scan3A_78 = arith.addi %scan3A_76, %scan3A_77 : i32
    %scan3A_79 = arith.constant 1 : i32
    %scan3A_80 = scf.for %scan3A_146 = %scan3A_76 to %scan3A_78 step %scan3A_79 iter_args(%scan3A_147 = %scan3A_75) -> (i32)  : i32 {
      %mul3A_148 = arith.constant 2 : i32
      %mul3A_149 = arith.muli %mul3A_148, %scan3A_146 : i32
      %mul3A_150 = arith.constant 80 : i32
      %mul3A_151 = arith.muli %mul3A_149, %mul3A_150 : i32
      %add3A_152 = arith.addi %mul3A_4, %mul3A_151 : i32
      %dma_wait3A_153 = arith.constant 0 : i32
      %dma_wait3A_154 = tpu.memref_slice %arg2[%add3A_152, %dma_wait3A_153] : memref<320000x128xf32, #tpu.memory_space<hbm>> -> memref<80x128xf32, #tpu.memory_space<hbm>>
      %dma_wait3A_155 = arith.constant 0 : i32
      %dma_wait3A_156 = tpu.memref_slice %arg2[%add3A_152, %dma_wait3A_155] : memref<320000x128xf32, #tpu.memory_space<hbm>> -> memref<80x128xf32, #tpu.memory_space<hbm>>
      tpu.wait_dma2 semaphore(%arg10 : memref<!tpu.dma_semaphore, #tpu.memory_space<semaphore_mem>>) src(%dma_wait3A_156 : memref<80x128xf32, #tpu.memory_space<hbm>>) dst(%arg6 : memref<80x128xf32, #tpu.memory_space<vmem>>)
      "tpu.region"() ({
        %run_scoped3A_183 = tpu.sem_alloc : memref<!tpu.dma_semaphore, #tpu.memory_space<semaphore_mem>>
        %dma_start3A_184 = arith.constant 0 : i32
        %dma_start3A_185 = tpu.memref_slice %arg5[%mul3A_149, %dma_start3A_184] : memref<125x80xi32, #tpu.memory_space<vmem>> -> memref<1x80xi32, #tpu.memory_space<vmem>>
        %dma_start3A_186 = tpu.memref_squeeze %dma_start3A_185 : memref<1x80xi32, #tpu.memory_space<vmem>> -> memref<80xi32, #tpu.memory_space<vmem>>
        %dma_start3A_187 = arith.constant 0 : i32
        %dma_start3A_188 = arith.constant 0 : i32
        %dma_start3A_189 = tpu.memref_slice %arg9[%dma_start3A_187, %dma_start3A_188] : memref<10000x128xf32, #tpu.memory_space<vmem_shared>> -> memref<10000x128xf32, #tpu.memory_space<vmem_shared>>
        tpu.enqueue_indirect_dma source(%arg6 : memref<80x128xf32, #tpu.memory_space<vmem>>) target(%dma_start3A_189 : memref<10000x128xf32, #tpu.memory_space<vmem_shared>>) offsets(%dma_start3A_186 : memref<80xi32, #tpu.memory_space<vmem>>) semaphore(%run_scoped3A_183 : memref<!tpu.dma_semaphore, #tpu.memory_space<semaphore_mem>>) {add = true}
        %dma_wait3A_190 = arith.constant 0 : i32
        %dma_wait3A_191 = tpu.memref_slice %arg5[%mul3A_149, %dma_wait3A_190] : memref<125x80xi32, #tpu.memory_space<vmem>> -> memref<1x80xi32, #tpu.memory_space<vmem>>
        %dma_wait3A_192 = tpu.memref_squeeze %dma_wait3A_191 : memref<1x80xi32, #tpu.memory_space<vmem>> -> memref<80xi32, #tpu.memory_space<vmem>>
        %dma_wait3A_193 = arith.constant 0 : i32
        %dma_wait3A_194 = arith.constant 0 : i32
        %dma_wait3A_195 = tpu.memref_slice %arg9[%dma_wait3A_193, %dma_wait3A_194] : memref<10000x128xf32, #tpu.memory_space<vmem_shared>> -> memref<10000x128xf32, #tpu.memory_space<vmem_shared>>
        tpu.wait_indirect_dma semaphore(%run_scoped3A_183 : memref<!tpu.dma_semaphore, #tpu.memory_space<semaphore_mem>>) src(%arg6 : memref<80x128xf32, #tpu.memory_space<vmem>>) dst(%dma_wait3A_195 : memref<10000x128xf32, #tpu.memory_space<vmem_shared>>)
        tpu.yield
      }) : () -> ()
      %add3A_157 = arith.constant 2 : i32
      %add3A_158 = arith.addi %mul3A_149, %add3A_157 : i32
      %lt3A_159 = arith.constant 125 : i32
      %lt3A_160 = arith.cmpi slt, %add3A_158, %lt3A_159 : i32
      %convert_element_type3A_161 = arith.extui %lt3A_160 : i1 to i32
      %cond3A_162 = arith.constant 0 : i32
      %cond3A_163 = arith.cmpi ne, %convert_element_type3A_161, %cond3A_162 : i32
      scf.if %cond3A_163 {
        %add3A_183 = arith.constant 2 : i32
        %add3A_184 = arith.addi %mul3A_149, %add3A_183 : i32
        %mul3A_185 = arith.constant 80 : i32
        %mul3A_186 = arith.muli %add3A_184, %mul3A_185 : i32
        %add3A_187 = arith.addi %mul3A_4, %mul3A_186 : i32
        %dma_start3A_188 = arith.constant 0 : i32
        %dma_start3A_189 = tpu.memref_slice %arg2[%add3A_187, %dma_start3A_188] : memref<320000x128xf32, #tpu.memory_space<hbm>> -> memref<80x128xf32, #tpu.memory_space<hbm>>
        %dma_start3A_190 = arith.constant 0 : i32
        %dma_start3A_191 = tpu.memref_slice %arg2[%add3A_187, %dma_start3A_190] : memref<320000x128xf32, #tpu.memory_space<hbm>> -> memref<80x128xf32, #tpu.memory_space<hbm>>
        tpu.enqueue_dma source(%dma_start3A_191 : memref<80x128xf32, #tpu.memory_space<hbm>>) target(%arg6 : memref<80x128xf32, #tpu.memory_space<vmem>>) target_semaphore(%arg10 : memref<!tpu.dma_semaphore, #tpu.memory_space<semaphore_mem>>)
      } else {
      }
      %mul3A_164 = arith.constant 2 : i32
      %mul3A_165 = arith.muli %mul3A_164, %scan3A_146 : i32
      %add3A_166 = arith.constant 1 : i32
      %add3A_167 = arith.addi %mul3A_165, %add3A_166 : i32
      %mul3A_168 = arith.constant 80 : i32
      %mul3A_169 = arith.muli %add3A_167, %mul3A_168 : i32
      %add3A_170 = arith.addi %mul3A_4, %mul3A_169 : i32
      %dma_wait3A_171 = arith.constant 0 : i32
      %dma_wait3A_172 = tpu.memref_slice %arg2[%add3A_170, %dma_wait3A_171] : memref<320000x128xf32, #tpu.memory_space<hbm>> -> memref<80x128xf32, #tpu.memory_space<hbm>>
      %dma_wait3A_173 = arith.constant 0 : i32
      %dma_wait3A_174 = tpu.memref_slice %arg2[%add3A_170, %dma_wait3A_173] : memref<320000x128xf32, #tpu.memory_space<hbm>> -> memref<80x128xf32, #tpu.memory_space<hbm>>
      tpu.wait_dma2 semaphore(%arg11 : memref<!tpu.dma_semaphore, #tpu.memory_space<semaphore_mem>>) src(%dma_wait3A_174 : memref<80x128xf32, #tpu.memory_space<hbm>>) dst(%arg7 : memref<80x128xf32, #tpu.memory_space<vmem>>)
      "tpu.region"() ({
        %run_scoped3A_183 = tpu.sem_alloc : memref<!tpu.dma_semaphore, #tpu.memory_space<semaphore_mem>>
        %dma_start3A_184 = arith.constant 0 : i32
        %dma_start3A_185 = tpu.memref_slice %arg5[%add3A_167, %dma_start3A_184] : memref<125x80xi32, #tpu.memory_space<vmem>> -> memref<1x80xi32, #tpu.memory_space<vmem>>
        %dma_start3A_186 = tpu.memref_squeeze %dma_start3A_185 : memref<1x80xi32, #tpu.memory_space<vmem>> -> memref<80xi32, #tpu.memory_space<vmem>>
        %dma_start3A_187 = arith.constant 0 : i32
        %dma_start3A_188 = arith.constant 0 : i32
        %dma_start3A_189 = tpu.memref_slice %arg9[%dma_start3A_187, %dma_start3A_188] : memref<10000x128xf32, #tpu.memory_space<vmem_shared>> -> memref<10000x128xf32, #tpu.memory_space<vmem_shared>>
        tpu.enqueue_indirect_dma source(%arg7 : memref<80x128xf32, #tpu.memory_space<vmem>>) target(%dma_start3A_189 : memref<10000x128xf32, #tpu.memory_space<vmem_shared>>) offsets(%dma_start3A_186 : memref<80xi32, #tpu.memory_space<vmem>>) semaphore(%run_scoped3A_183 : memref<!tpu.dma_semaphore, #tpu.memory_space<semaphore_mem>>) {add = true}
        %dma_wait3A_190 = arith.constant 0 : i32
        %dma_wait3A_191 = tpu.memref_slice %arg5[%add3A_167, %dma_wait3A_190] : memref<125x80xi32, #tpu.memory_space<vmem>> -> memref<1x80xi32, #tpu.memory_space<vmem>>
        %dma_wait3A_192 = tpu.memref_squeeze %dma_wait3A_191 : memref<1x80xi32, #tpu.memory_space<vmem>> -> memref<80xi32, #tpu.memory_space<vmem>>
        %dma_wait3A_193 = arith.constant 0 : i32
        %dma_wait3A_194 = arith.constant 0 : i32
        %dma_wait3A_195 = tpu.memref_slice %arg9[%dma_wait3A_193, %dma_wait3A_194] : memref<10000x128xf32, #tpu.memory_space<vmem_shared>> -> memref<10000x128xf32, #tpu.memory_space<vmem_shared>>
        tpu.wait_indirect_dma semaphore(%run_scoped3A_183 : memref<!tpu.dma_semaphore, #tpu.memory_space<semaphore_mem>>) src(%arg7 : memref<80x128xf32, #tpu.memory_space<vmem>>) dst(%dma_wait3A_195 : memref<10000x128xf32, #tpu.memory_space<vmem_shared>>)
        tpu.yield
      }) : () -> ()
      %add3A_175 = arith.constant 2 : i32
      %add3A_176 = arith.addi %add3A_167, %add3A_175 : i32
      %lt3A_177 = arith.constant 125 : i32
      %lt3A_178 = arith.cmpi slt, %add3A_176, %lt3A_177 : i32
      %convert_element_type3A_179 = arith.extui %lt3A_178 : i1 to i32
      %cond3A_180 = arith.constant 0 : i32
      %cond3A_181 = arith.cmpi ne, %convert_element_type3A_179, %cond3A_180 : i32
      scf.if %cond3A_181 {
        %add3A_183 = arith.constant 2 : i32
        %add3A_184 = arith.addi %add3A_167, %add3A_183 : i32
        %mul3A_185 = arith.constant 80 : i32
        %mul3A_186 = arith.muli %add3A_184, %mul3A_185 : i32
        %add3A_187 = arith.addi %mul3A_4, %mul3A_186 : i32
        %dma_start3A_188 = arith.constant 0 : i32
        %dma_start3A_189 = tpu.memref_slice %arg2[%add3A_187, %dma_start3A_188] : memref<320000x128xf32, #tpu.memory_space<hbm>> -> memref<80x128xf32, #tpu.memory_space<hbm>>
        %dma_start3A_190 = arith.constant 0 : i32
        %dma_start3A_191 = tpu.memref_slice %arg2[%add3A_187, %dma_start3A_190] : memref<320000x128xf32, #tpu.memory_space<hbm>> -> memref<80x128xf32, #tpu.memory_space<hbm>>
        tpu.enqueue_dma source(%dma_start3A_191 : memref<80x128xf32, #tpu.memory_space<hbm>>) target(%arg7 : memref<80x128xf32, #tpu.memory_space<vmem>>) target_semaphore(%arg11 : memref<!tpu.dma_semaphore, #tpu.memory_space<semaphore_mem>>)
      } else {
      }
      %scan3A_182 = arith.constant 0 : i32
      scf.yield %scan3A_182 : i32
    }
    %scan3A_81 = arith.constant 62 : i32
    %mul3A_82 = arith.constant 124 : i32
    %mul3A_83 = arith.constant 80 : i32
    %mul3A_84 = arith.muli %mul3A_82, %mul3A_83 : i32
    %add3A_85 = arith.addi %mul3A_4, %mul3A_84 : i32
    %dma_wait3A = arith.constant 0 : i32
    %dma_wait3A_86 = tpu.memref_slice %arg2[%add3A_85, %dma_wait3A] : memref<320000x128xf32, #tpu.memory_space<hbm>> -> memref<80x128xf32, #tpu.memory_space<hbm>>
    %dma_wait3A_87 = arith.constant 0 : i32
    %dma_wait3A_88 = tpu.memref_slice %arg2[%add3A_85, %dma_wait3A_87] : memref<320000x128xf32, #tpu.memory_space<hbm>> -> memref<80x128xf32, #tpu.memory_space<hbm>>
    tpu.wait_dma2 semaphore(%arg10 : memref<!tpu.dma_semaphore, #tpu.memory_space<semaphore_mem>>) src(%dma_wait3A_88 : memref<80x128xf32, #tpu.memory_space<hbm>>) dst(%arg6 : memref<80x128xf32, #tpu.memory_space<vmem>>)
    %run_scoped3A = arith.constant 124 : i32
    "tpu.region"() ({
      %run_scoped3A_146 = tpu.sem_alloc : memref<!tpu.dma_semaphore, #tpu.memory_space<semaphore_mem>>
      %dma_start3A_147 = arith.constant 0 : i32
      %dma_start3A_148 = tpu.memref_slice %arg5[%run_scoped3A, %dma_start3A_147] : memref<125x80xi32, #tpu.memory_space<vmem>> -> memref<1x80xi32, #tpu.memory_space<vmem>>
      %dma_start3A_149 = tpu.memref_squeeze %dma_start3A_148 : memref<1x80xi32, #tpu.memory_space<vmem>> -> memref<80xi32, #tpu.memory_space<vmem>>
      %dma_start3A_150 = arith.constant 0 : i32
      %dma_start3A_151 = arith.constant 0 : i32
      %dma_start3A_152 = tpu.memref_slice %arg9[%dma_start3A_150, %dma_start3A_151] : memref<10000x128xf32, #tpu.memory_space<vmem_shared>> -> memref<10000x128xf32, #tpu.memory_space<vmem_shared>>
      tpu.enqueue_indirect_dma source(%arg6 : memref<80x128xf32, #tpu.memory_space<vmem>>) target(%dma_start3A_152 : memref<10000x128xf32, #tpu.memory_space<vmem_shared>>) offsets(%dma_start3A_149 : memref<80xi32, #tpu.memory_space<vmem>>) semaphore(%run_scoped3A_146 : memref<!tpu.dma_semaphore, #tpu.memory_space<semaphore_mem>>) {add = true}
      %dma_wait3A_153 = arith.constant 0 : i32
      %dma_wait3A_154 = tpu.memref_slice %arg5[%run_scoped3A, %dma_wait3A_153] : memref<125x80xi32, #tpu.memory_space<vmem>> -> memref<1x80xi32, #tpu.memory_space<vmem>>
      %dma_wait3A_155 = tpu.memref_squeeze %dma_wait3A_154 : memref<1x80xi32, #tpu.memory_space<vmem>> -> memref<80xi32, #tpu.memory_space<vmem>>
      %dma_wait3A_156 = arith.constant 0 : i32
      %dma_wait3A_157 = arith.constant 0 : i32
      %dma_wait3A_158 = tpu.memref_slice %arg9[%dma_wait3A_156, %dma_wait3A_157] : memref<10000x128xf32, #tpu.memory_space<vmem_shared>> -> memref<10000x128xf32, #tpu.memory_space<vmem_shared>>
      tpu.wait_indirect_dma semaphore(%run_scoped3A_146 : memref<!tpu.dma_semaphore, #tpu.memory_space<semaphore_mem>>) src(%arg6 : memref<80x128xf32, #tpu.memory_space<vmem>>) dst(%dma_wait3A_158 : memref<10000x128xf32, #tpu.memory_space<vmem_shared>>)
      tpu.yield
    }) : () -> ()
    %barrier3A_89 = arith.constant 0 : index
    tpu.barrier barrier_id(%barrier3A_89)
    %add3A_90 = arith.constant 0 : i32
    %add3A_91 = arith.addi %arg1, %add3A_90 : i32
    %lt3A_92 = arith.constant 125 : i32
    %lt3A_93 = arith.cmpi slt, %add3A_91, %lt3A_92 : i32
    %convert_element_type3A_94 = arith.extui %lt3A_93 : i1 to i32
    %cond3A_95 = arith.constant 0 : i32
    %cond3A_96 = arith.cmpi ne, %convert_element_type3A_94, %cond3A_95 : i32
    scf.if %cond3A_96 {
      %mul3A_146 = arith.constant 80 : i32
      %mul3A_147 = arith.muli %add3A_91, %mul3A_146 : i32
      %mul3A_148 = arith.constant 80 : i32
      %mul3A_149 = arith.muli %add3A_91, %mul3A_148 : i32
      "tpu.region"() ({
        %run_scoped3A_150 = tpu.sem_alloc : memref<!tpu.dma_semaphore, #tpu.memory_space<semaphore_mem>>
        %dma_start3A_151 = arith.constant 0 : i32
        %dma_start3A_152 = tpu.memref_slice %arg4[%arg0, %mul3A_149, %dma_start3A_151] : memref<2x10000x128xf32, #tpu.memory_space<hbm>> -> memref<1x80x128xf32, #tpu.memory_space<hbm>>
        %dma_start3A_153 = tpu.memref_squeeze %dma_start3A_152 : memref<1x80x128xf32, #tpu.memory_space<hbm>> -> memref<80x128xf32, #tpu.memory_space<hbm>>
        %dma_start3A_154 = arith.constant 0 : i32
        %dma_start3A_155 = tpu.memref_slice %arg9[%mul3A_147, %dma_start3A_154] : memref<10000x128xf32, #tpu.memory_space<vmem_shared>> -> memref<80x128xf32, #tpu.memory_space<vmem_shared>>
        tpu.enqueue_dma source(%dma_start3A_155 : memref<80x128xf32, #tpu.memory_space<vmem_shared>>) target(%dma_start3A_153 : memref<80x128xf32, #tpu.memory_space<hbm>>) target_semaphore(%run_scoped3A_150 : memref<!tpu.dma_semaphore, #tpu.memory_space<semaphore_mem>>)
        %dma_wait3A_156 = arith.constant 0 : i32
        %dma_wait3A_157 = tpu.memref_slice %arg4[%arg0, %mul3A_149, %dma_wait3A_156] : memref<2x10000x128xf32, #tpu.memory_space<hbm>> -> memref<1x80x128xf32, #tpu.memory_space<hbm>>
        %dma_wait3A_158 = tpu.memref_squeeze %dma_wait3A_157 : memref<1x80x128xf32, #tpu.memory_space<hbm>> -> memref<80x128xf32, #tpu.memory_space<hbm>>
        %dma_wait3A_159 = arith.constant 0 : i32
        %dma_wait3A_160 = tpu.memref_slice %arg9[%mul3A_147, %dma_wait3A_159] : memref<10000x128xf32, #tpu.memory_space<vmem_shared>> -> memref<80x128xf32, #tpu.memory_space<vmem_shared>>
        tpu.wait_dma2 semaphore(%run_scoped3A_150 : memref<!tpu.dma_semaphore, #tpu.memory_space<semaphore_mem>>) src(%dma_wait3A_160 : memref<80x128xf32, #tpu.memory_space<vmem_shared>>) dst(%dma_wait3A_158 : memref<80x128xf32, #tpu.memory_space<hbm>>)
        tpu.yield
      }) : () -> ()
    } else {
    }
    %add3A_97 = arith.constant 16 : i32
    %add3A_98 = arith.addi %arg1, %add3A_97 : i32
    %lt3A_99 = arith.constant 125 : i32
    %lt3A_100 = arith.cmpi slt, %add3A_98, %lt3A_99 : i32
    %convert_element_type3A_101 = arith.extui %lt3A_100 : i1 to i32
    %cond3A_102 = arith.constant 0 : i32
    %cond3A_103 = arith.cmpi ne, %convert_element_type3A_101, %cond3A_102 : i32
    scf.if %cond3A_103 {
      %mul3A_146 = arith.constant 80 : i32
      %mul3A_147 = arith.muli %add3A_98, %mul3A_146 : i32
      %mul3A_148 = arith.constant 80 : i32
      %mul3A_149 = arith.muli %add3A_98, %mul3A_148 : i32
      "tpu.region"() ({
        %run_scoped3A_150 = tpu.sem_alloc : memref<!tpu.dma_semaphore, #tpu.memory_space<semaphore_mem>>
        %dma_start3A_151 = arith.constant 0 : i32
        %dma_start3A_152 = tpu.memref_slice %arg4[%arg0, %mul3A_149, %dma_start3A_151] : memref<2x10000x128xf32, #tpu.memory_space<hbm>> -> memref<1x80x128xf32, #tpu.memory_space<hbm>>
        %dma_start3A_153 = tpu.memref_squeeze %dma_start3A_152 : memref<1x80x128xf32, #tpu.memory_space<hbm>> -> memref<80x128xf32, #tpu.memory_space<hbm>>
        %dma_start3A_154 = arith.constant 0 : i32
        %dma_start3A_155 = tpu.memref_slice %arg9[%mul3A_147, %dma_start3A_154] : memref<10000x128xf32, #tpu.memory_space<vmem_shared>> -> memref<80x128xf32, #tpu.memory_space<vmem_shared>>
        tpu.enqueue_dma source(%dma_start3A_155 : memref<80x128xf32, #tpu.memory_space<vmem_shared>>) target(%dma_start3A_153 : memref<80x128xf32, #tpu.memory_space<hbm>>) target_semaphore(%run_scoped3A_150 : memref<!tpu.dma_semaphore, #tpu.memory_space<semaphore_mem>>)
        %dma_wait3A_156 = arith.constant 0 : i32
        %dma_wait3A_157 = tpu.memref_slice %arg4[%arg0, %mul3A_149, %dma_wait3A_156] : memref<2x10000x128xf32, #tpu.memory_space<hbm>> -> memref<1x80x128xf32, #tpu.memory_space<hbm>>
        %dma_wait3A_158 = tpu.memref_squeeze %dma_wait3A_157 : memref<1x80x128xf32, #tpu.memory_space<hbm>> -> memref<80x128xf32, #tpu.memory_space<hbm>>
        %dma_wait3A_159 = arith.constant 0 : i32
        %dma_wait3A_160 = tpu.memref_slice %arg9[%mul3A_147, %dma_wait3A_159] : memref<10000x128xf32, #tpu.memory_space<vmem_shared>> -> memref<80x128xf32, #tpu.memory_space<vmem_shared>>
        tpu.wait_dma2 semaphore(%run_scoped3A_150 : memref<!tpu.dma_semaphore, #tpu.memory_space<semaphore_mem>>) src(%dma_wait3A_160 : memref<80x128xf32, #tpu.memory_space<vmem_shared>>) dst(%dma_wait3A_158 : memref<80x128xf32, #tpu.memory_space<hbm>>)
        tpu.yield
      }) : () -> ()
    } else {
    }
    %add3A_104 = arith.constant 32 : i32
    %add3A_105 = arith.addi %arg1, %add3A_104 : i32
    %lt3A_106 = arith.constant 125 : i32
    %lt3A_107 = arith.cmpi slt, %add3A_105, %lt3A_106 : i32
    %convert_element_type3A_108 = arith.extui %lt3A_107 : i1 to i32
    %cond3A_109 = arith.constant 0 : i32
    %cond3A_110 = arith.cmpi ne, %convert_element_type3A_108, %cond3A_109 : i32
    scf.if %cond3A_110 {
      %mul3A_146 = arith.constant 80 : i32
      %mul3A_147 = arith.muli %add3A_105, %mul3A_146 : i32
      %mul3A_148 = arith.constant 80 : i32
      %mul3A_149 = arith.muli %add3A_105, %mul3A_148 : i32
      "tpu.region"() ({
        %run_scoped3A_150 = tpu.sem_alloc : memref<!tpu.dma_semaphore, #tpu.memory_space<semaphore_mem>>
        %dma_start3A_151 = arith.constant 0 : i32
        %dma_start3A_152 = tpu.memref_slice %arg4[%arg0, %mul3A_149, %dma_start3A_151] : memref<2x10000x128xf32, #tpu.memory_space<hbm>> -> memref<1x80x128xf32, #tpu.memory_space<hbm>>
        %dma_start3A_153 = tpu.memref_squeeze %dma_start3A_152 : memref<1x80x128xf32, #tpu.memory_space<hbm>> -> memref<80x128xf32, #tpu.memory_space<hbm>>
        %dma_start3A_154 = arith.constant 0 : i32
        %dma_start3A_155 = tpu.memref_slice %arg9[%mul3A_147, %dma_start3A_154] : memref<10000x128xf32, #tpu.memory_space<vmem_shared>> -> memref<80x128xf32, #tpu.memory_space<vmem_shared>>
        tpu.enqueue_dma source(%dma_start3A_155 : memref<80x128xf32, #tpu.memory_space<vmem_shared>>) target(%dma_start3A_153 : memref<80x128xf32, #tpu.memory_space<hbm>>) target_semaphore(%run_scoped3A_150 : memref<!tpu.dma_semaphore, #tpu.memory_space<semaphore_mem>>)
        %dma_wait3A_156 = arith.constant 0 : i32
        %dma_wait3A_157 = tpu.memref_slice %arg4[%arg0, %mul3A_149, %dma_wait3A_156] : memref<2x10000x128xf32, #tpu.memory_space<hbm>> -> memref<1x80x128xf32, #tpu.memory_space<hbm>>
        %dma_wait3A_158 = tpu.memref_squeeze %dma_wait3A_157 : memref<1x80x128xf32, #tpu.memory_space<hbm>> -> memref<80x128xf32, #tpu.memory_space<hbm>>
        %dma_wait3A_159 = arith.constant 0 : i32
        %dma_wait3A_160 = tpu.memref_slice %arg9[%mul3A_147, %dma_wait3A_159] : memref<10000x128xf32, #tpu.memory_space<vmem_shared>> -> memref<80x128xf32, #tpu.memory_space<vmem_shared>>
        tpu.wait_dma2 semaphore(%run_scoped3A_150 : memref<!tpu.dma_semaphore, #tpu.memory_space<semaphore_mem>>) src(%dma_wait3A_160 : memref<80x128xf32, #tpu.memory_space<vmem_shared>>) dst(%dma_wait3A_158 : memref<80x128xf32, #tpu.memory_space<hbm>>)
        tpu.yield
      }) : () -> ()
    } else {
    }
    %add3A_111 = arith.constant 48 : i32
    %add3A_112 = arith.addi %arg1, %add3A_111 : i32
    %lt3A_113 = arith.constant 125 : i32
    %lt3A_114 = arith.cmpi slt, %add3A_112, %lt3A_113 : i32
    %convert_element_type3A_115 = arith.extui %lt3A_114 : i1 to i32
    %cond3A_116 = arith.constant 0 : i32
    %cond3A_117 = arith.cmpi ne, %convert_element_type3A_115, %cond3A_116 : i32
    scf.if %cond3A_117 {
      %mul3A_146 = arith.constant 80 : i32
      %mul3A_147 = arith.muli %add3A_112, %mul3A_146 : i32
      %mul3A_148 = arith.constant 80 : i32
      %mul3A_149 = arith.muli %add3A_112, %mul3A_148 : i32
      "tpu.region"() ({
        %run_scoped3A_150 = tpu.sem_alloc : memref<!tpu.dma_semaphore, #tpu.memory_space<semaphore_mem>>
        %dma_start3A_151 = arith.constant 0 : i32
        %dma_start3A_152 = tpu.memref_slice %arg4[%arg0, %mul3A_149, %dma_start3A_151] : memref<2x10000x128xf32, #tpu.memory_space<hbm>> -> memref<1x80x128xf32, #tpu.memory_space<hbm>>
        %dma_start3A_153 = tpu.memref_squeeze %dma_start3A_152 : memref<1x80x128xf32, #tpu.memory_space<hbm>> -> memref<80x128xf32, #tpu.memory_space<hbm>>
        %dma_start3A_154 = arith.constant 0 : i32
        %dma_start3A_155 = tpu.memref_slice %arg9[%mul3A_147, %dma_start3A_154] : memref<10000x128xf32, #tpu.memory_space<vmem_shared>> -> memref<80x128xf32, #tpu.memory_space<vmem_shared>>
        tpu.enqueue_dma source(%dma_start3A_155 : memref<80x128xf32, #tpu.memory_space<vmem_shared>>) target(%dma_start3A_153 : memref<80x128xf32, #tpu.memory_space<hbm>>) target_semaphore(%run_scoped3A_150 : memref<!tpu.dma_semaphore, #tpu.memory_space<semaphore_mem>>)
        %dma_wait3A_156 = arith.constant 0 : i32
        %dma_wait3A_157 = tpu.memref_slice %arg4[%arg0, %mul3A_149, %dma_wait3A_156] : memref<2x10000x128xf32, #tpu.memory_space<hbm>> -> memref<1x80x128xf32, #tpu.memory_space<hbm>>
        %dma_wait3A_158 = tpu.memref_squeeze %dma_wait3A_157 : memref<1x80x128xf32, #tpu.memory_space<hbm>> -> memref<80x128xf32, #tpu.memory_space<hbm>>
        %dma_wait3A_159 = arith.constant 0 : i32
        %dma_wait3A_160 = tpu.memref_slice %arg9[%mul3A_147, %dma_wait3A_159] : memref<10000x128xf32, #tpu.memory_space<vmem_shared>> -> memref<80x128xf32, #tpu.memory_space<vmem_shared>>
        tpu.wait_dma2 semaphore(%run_scoped3A_150 : memref<!tpu.dma_semaphore, #tpu.memory_space<semaphore_mem>>) src(%dma_wait3A_160 : memref<80x128xf32, #tpu.memory_space<vmem_shared>>) dst(%dma_wait3A_158 : memref<80x128xf32, #tpu.memory_space<hbm>>)
        tpu.yield
      }) : () -> ()
    } else {
    }
    %add3A_118 = arith.constant 64 : i32
    %add3A_119 = arith.addi %arg1, %add3A_118 : i32
    %lt3A_120 = arith.constant 125 : i32
    %lt3A_121 = arith.cmpi slt, %add3A_119, %lt3A_120 : i32
    %convert_element_type3A_122 = arith.extui %lt3A_121 : i1 to i32
    %cond3A_123 = arith.constant 0 : i32
    %cond3A_124 = arith.cmpi ne, %convert_element_type3A_122, %cond3A_123 : i32
    scf.if %cond3A_124 {
      %mul3A_146 = arith.constant 80 : i32
      %mul3A_147 = arith.muli %add3A_119, %mul3A_146 : i32
      %mul3A_148 = arith.constant 80 : i32
      %mul3A_149 = arith.muli %add3A_119, %mul3A_148 : i32
      "tpu.region"() ({
        %run_scoped3A_150 = tpu.sem_alloc : memref<!tpu.dma_semaphore, #tpu.memory_space<semaphore_mem>>
        %dma_start3A_151 = arith.constant 0 : i32
        %dma_start3A_152 = tpu.memref_slice %arg4[%arg0, %mul3A_149, %dma_start3A_151] : memref<2x10000x128xf32, #tpu.memory_space<hbm>> -> memref<1x80x128xf32, #tpu.memory_space<hbm>>
        %dma_start3A_153 = tpu.memref_squeeze %dma_start3A_152 : memref<1x80x128xf32, #tpu.memory_space<hbm>> -> memref<80x128xf32, #tpu.memory_space<hbm>>
        %dma_start3A_154 = arith.constant 0 : i32
        %dma_start3A_155 = tpu.memref_slice %arg9[%mul3A_147, %dma_start3A_154] : memref<10000x128xf32, #tpu.memory_space<vmem_shared>> -> memref<80x128xf32, #tpu.memory_space<vmem_shared>>
        tpu.enqueue_dma source(%dma_start3A_155 : memref<80x128xf32, #tpu.memory_space<vmem_shared>>) target(%dma_start3A_153 : memref<80x128xf32, #tpu.memory_space<hbm>>) target_semaphore(%run_scoped3A_150 : memref<!tpu.dma_semaphore, #tpu.memory_space<semaphore_mem>>)
        %dma_wait3A_156 = arith.constant 0 : i32
        %dma_wait3A_157 = tpu.memref_slice %arg4[%arg0, %mul3A_149, %dma_wait3A_156] : memref<2x10000x128xf32, #tpu.memory_space<hbm>> -> memref<1x80x128xf32, #tpu.memory_space<hbm>>
        %dma_wait3A_158 = tpu.memref_squeeze %dma_wait3A_157 : memref<1x80x128xf32, #tpu.memory_space<hbm>> -> memref<80x128xf32, #tpu.memory_space<hbm>>
        %dma_wait3A_159 = arith.constant 0 : i32
        %dma_wait3A_160 = tpu.memref_slice %arg9[%mul3A_147, %dma_wait3A_159] : memref<10000x128xf32, #tpu.memory_space<vmem_shared>> -> memref<80x128xf32, #tpu.memory_space<vmem_shared>>
        tpu.wait_dma2 semaphore(%run_scoped3A_150 : memref<!tpu.dma_semaphore, #tpu.memory_space<semaphore_mem>>) src(%dma_wait3A_160 : memref<80x128xf32, #tpu.memory_space<vmem_shared>>) dst(%dma_wait3A_158 : memref<80x128xf32, #tpu.memory_space<hbm>>)
        tpu.yield
      }) : () -> ()
    } else {
    }
    %add3A_125 = arith.constant 80 : i32
    %add3A_126 = arith.addi %arg1, %add3A_125 : i32
    %lt3A_127 = arith.constant 125 : i32
    %lt3A_128 = arith.cmpi slt, %add3A_126, %lt3A_127 : i32
    %convert_element_type3A_129 = arith.extui %lt3A_128 : i1 to i32
    %cond3A_130 = arith.constant 0 : i32
    %cond3A_131 = arith.cmpi ne, %convert_element_type3A_129, %cond3A_130 : i32
    scf.if %cond3A_131 {
      %mul3A_146 = arith.constant 80 : i32
      %mul3A_147 = arith.muli %add3A_126, %mul3A_146 : i32
      %mul3A_148 = arith.constant 80 : i32
      %mul3A_149 = arith.muli %add3A_126, %mul3A_148 : i32
      "tpu.region"() ({
        %run_scoped3A_150 = tpu.sem_alloc : memref<!tpu.dma_semaphore, #tpu.memory_space<semaphore_mem>>
        %dma_start3A_151 = arith.constant 0 : i32
        %dma_start3A_152 = tpu.memref_slice %arg4[%arg0, %mul3A_149, %dma_start3A_151] : memref<2x10000x128xf32, #tpu.memory_space<hbm>> -> memref<1x80x128xf32, #tpu.memory_space<hbm>>
        %dma_start3A_153 = tpu.memref_squeeze %dma_start3A_152 : memref<1x80x128xf32, #tpu.memory_space<hbm>> -> memref<80x128xf32, #tpu.memory_space<hbm>>
        %dma_start3A_154 = arith.constant 0 : i32
        %dma_start3A_155 = tpu.memref_slice %arg9[%mul3A_147, %dma_start3A_154] : memref<10000x128xf32, #tpu.memory_space<vmem_shared>> -> memref<80x128xf32, #tpu.memory_space<vmem_shared>>
        tpu.enqueue_dma source(%dma_start3A_155 : memref<80x128xf32, #tpu.memory_space<vmem_shared>>) target(%dma_start3A_153 : memref<80x128xf32, #tpu.memory_space<hbm>>) target_semaphore(%run_scoped3A_150 : memref<!tpu.dma_semaphore, #tpu.memory_space<semaphore_mem>>)
        %dma_wait3A_156 = arith.constant 0 : i32
        %dma_wait3A_157 = tpu.memref_slice %arg4[%arg0, %mul3A_149, %dma_wait3A_156] : memref<2x10000x128xf32, #tpu.memory_space<hbm>> -> memref<1x80x128xf32, #tpu.memory_space<hbm>>
        %dma_wait3A_158 = tpu.memref_squeeze %dma_wait3A_157 : memref<1x80x128xf32, #tpu.memory_space<hbm>> -> memref<80x128xf32, #tpu.memory_space<hbm>>
        %dma_wait3A_159 = arith.constant 0 : i32
        %dma_wait3A_160 = tpu.memref_slice %arg9[%mul3A_147, %dma_wait3A_159] : memref<10000x128xf32, #tpu.memory_space<vmem_shared>> -> memref<80x128xf32, #tpu.memory_space<vmem_shared>>
        tpu.wait_dma2 semaphore(%run_scoped3A_150 : memref<!tpu.dma_semaphore, #tpu.memory_space<semaphore_mem>>) src(%dma_wait3A_160 : memref<80x128xf32, #tpu.memory_space<vmem_shared>>) dst(%dma_wait3A_158 : memref<80x128xf32, #tpu.memory_space<hbm>>)
        tpu.yield
      }) : () -> ()
    } else {
    }
    %add3A_132 = arith.constant 96 : i32
    %add3A_133 = arith.addi %arg1, %add3A_132 : i32
    %lt3A_134 = arith.constant 125 : i32
    %lt3A_135 = arith.cmpi slt, %add3A_133, %lt3A_134 : i32
    %convert_element_type3A_136 = arith.extui %lt3A_135 : i1 to i32
    %cond3A_137 = arith.constant 0 : i32
    %cond3A_138 = arith.cmpi ne, %convert_element_type3A_136, %cond3A_137 : i32
    scf.if %cond3A_138 {
      %mul3A_146 = arith.constant 80 : i32
      %mul3A_147 = arith.muli %add3A_133, %mul3A_146 : i32
      %mul3A_148 = arith.constant 80 : i32
      %mul3A_149 = arith.muli %add3A_133, %mul3A_148 : i32
      "tpu.region"() ({
        %run_scoped3A_150 = tpu.sem_alloc : memref<!tpu.dma_semaphore, #tpu.memory_space<semaphore_mem>>
        %dma_start3A_151 = arith.constant 0 : i32
        %dma_start3A_152 = tpu.memref_slice %arg4[%arg0, %mul3A_149, %dma_start3A_151] : memref<2x10000x128xf32, #tpu.memory_space<hbm>> -> memref<1x80x128xf32, #tpu.memory_space<hbm>>
        %dma_start3A_153 = tpu.memref_squeeze %dma_start3A_152 : memref<1x80x128xf32, #tpu.memory_space<hbm>> -> memref<80x128xf32, #tpu.memory_space<hbm>>
        %dma_start3A_154 = arith.constant 0 : i32
        %dma_start3A_155 = tpu.memref_slice %arg9[%mul3A_147, %dma_start3A_154] : memref<10000x128xf32, #tpu.memory_space<vmem_shared>> -> memref<80x128xf32, #tpu.memory_space<vmem_shared>>
        tpu.enqueue_dma source(%dma_start3A_155 : memref<80x128xf32, #tpu.memory_space<vmem_shared>>) target(%dma_start3A_153 : memref<80x128xf32, #tpu.memory_space<hbm>>) target_semaphore(%run_scoped3A_150 : memref<!tpu.dma_semaphore, #tpu.memory_space<semaphore_mem>>)
        %dma_wait3A_156 = arith.constant 0 : i32
        %dma_wait3A_157 = tpu.memref_slice %arg4[%arg0, %mul3A_149, %dma_wait3A_156] : memref<2x10000x128xf32, #tpu.memory_space<hbm>> -> memref<1x80x128xf32, #tpu.memory_space<hbm>>
        %dma_wait3A_158 = tpu.memref_squeeze %dma_wait3A_157 : memref<1x80x128xf32, #tpu.memory_space<hbm>> -> memref<80x128xf32, #tpu.memory_space<hbm>>
        %dma_wait3A_159 = arith.constant 0 : i32
        %dma_wait3A_160 = tpu.memref_slice %arg9[%mul3A_147, %dma_wait3A_159] : memref<10000x128xf32, #tpu.memory_space<vmem_shared>> -> memref<80x128xf32, #tpu.memory_space<vmem_shared>>
        tpu.wait_dma2 semaphore(%run_scoped3A_150 : memref<!tpu.dma_semaphore, #tpu.memory_space<semaphore_mem>>) src(%dma_wait3A_160 : memref<80x128xf32, #tpu.memory_space<vmem_shared>>) dst(%dma_wait3A_158 : memref<80x128xf32, #tpu.memory_space<hbm>>)
        tpu.yield
      }) : () -> ()
    } else {
    }
    %add3A_139 = arith.constant 112 : i32
    %add3A_140 = arith.addi %arg1, %add3A_139 : i32
    %lt3A_141 = arith.constant 125 : i32
    %lt3A_142 = arith.cmpi slt, %add3A_140, %lt3A_141 : i32
    %convert_element_type3A_143 = arith.extui %lt3A_142 : i1 to i32
    %cond3A_144 = arith.constant 0 : i32
    %cond3A_145 = arith.cmpi ne, %convert_element_type3A_143, %cond3A_144 : i32
    scf.if %cond3A_145 {
      %mul3A_146 = arith.constant 80 : i32
      %mul3A_147 = arith.muli %add3A_140, %mul3A_146 : i32
      %mul3A_148 = arith.constant 80 : i32
      %mul3A_149 = arith.muli %add3A_140, %mul3A_148 : i32
      "tpu.region"() ({
        %run_scoped3A_150 = tpu.sem_alloc : memref<!tpu.dma_semaphore, #tpu.memory_space<semaphore_mem>>
        %dma_start3A_151 = arith.constant 0 : i32
        %dma_start3A_152 = tpu.memref_slice %arg4[%arg0, %mul3A_149, %dma_start3A_151] : memref<2x10000x128xf32, #tpu.memory_space<hbm>> -> memref<1x80x128xf32, #tpu.memory_space<hbm>>
        %dma_start3A_153 = tpu.memref_squeeze %dma_start3A_152 : memref<1x80x128xf32, #tpu.memory_space<hbm>> -> memref<80x128xf32, #tpu.memory_space<hbm>>
        %dma_start3A_154 = arith.constant 0 : i32
        %dma_start3A_155 = tpu.memref_slice %arg9[%mul3A_147, %dma_start3A_154] : memref<10000x128xf32, #tpu.memory_space<vmem_shared>> -> memref<80x128xf32, #tpu.memory_space<vmem_shared>>
        tpu.enqueue_dma source(%dma_start3A_155 : memref<80x128xf32, #tpu.memory_space<vmem_shared>>) target(%dma_start3A_153 : memref<80x128xf32, #tpu.memory_space<hbm>>) target_semaphore(%run_scoped3A_150 : memref<!tpu.dma_semaphore, #tpu.memory_space<semaphore_mem>>)
        %dma_wait3A_156 = arith.constant 0 : i32
        %dma_wait3A_157 = tpu.memref_slice %arg4[%arg0, %mul3A_149, %dma_wait3A_156] : memref<2x10000x128xf32, #tpu.memory_space<hbm>> -> memref<1x80x128xf32, #tpu.memory_space<hbm>>
        %dma_wait3A_158 = tpu.memref_squeeze %dma_wait3A_157 : memref<1x80x128xf32, #tpu.memory_space<hbm>> -> memref<80x128xf32, #tpu.memory_space<hbm>>
        %dma_wait3A_159 = arith.constant 0 : i32
        %dma_wait3A_160 = tpu.memref_slice %arg9[%mul3A_147, %dma_wait3A_159] : memref<10000x128xf32, #tpu.memory_space<vmem_shared>> -> memref<80x128xf32, #tpu.memory_space<vmem_shared>>
        tpu.wait_dma2 semaphore(%run_scoped3A_150 : memref<!tpu.dma_semaphore, #tpu.memory_space<semaphore_mem>>) src(%dma_wait3A_160 : memref<80x128xf32, #tpu.memory_space<vmem_shared>>) dst(%dma_wait3A_158 : memref<80x128xf32, #tpu.memory_space<hbm>>)
        tpu.yield
      }) : () -> ()
    } else {
    }
    return
  }
}

module attributes {stable_mosaic.version = 14 : i64} {
  func.func @_pq_body(%arg0: i32, %arg1: memref<2000x128xf32, #tpu.memory_space<vmem>>, %arg2: memref<128x128xf32, #tpu.memory_space<vmem>>, %arg3: memref<128x128xf32, #tpu.memory_space<vmem>>, %arg4: memref<2000x128xf32, #tpu.memory_space<vmem>>, %arg5: memref<2000x128xf32, #tpu.memory_space<vmem>>) attributes {dimension_semantics = [#tpu.dimension_semantics<arbitrary>], iteration_bounds = array<i64: 5>, scalar_prefetch = 0 : i64, scratch_operands = 0 : i64, tpu.core_type = #tpu.core_type<tc>, window_params = [{transform_indices = @transform_0, window_bounds = array<i64: 2000, 128>}, {pipeline_mode = #tpu.pipeline_mode<synchronous>, transform_indices = @transform_1, window_bounds = array<i64: 128, 128>}, {pipeline_mode = #tpu.pipeline_mode<synchronous>, transform_indices = @transform_2, window_bounds = array<i64: 128, 128>}, {transform_indices = @transform_3, window_bounds = array<i64: 2000, 128>}, {transform_indices = @transform_4, window_bounds = array<i64: 2000, 128>}]} {
    %get3A = arith.constant 0 : index
    %get3A_0 = arith.constant 0 : index
    %get3A_1 = vector.load %arg1[%get3A, %get3A_0] : memref<2000x128xf32, #tpu.memory_space<vmem>>, vector<2000x128xf32>
    %get3A_2 = arith.constant 0 : index
    %get3A_3 = arith.constant 0 : index
    %get3A_4 = vector.load %arg2[%get3A_2, %get3A_3] : memref<128x128xf32, #tpu.memory_space<vmem>>, vector<128x128xf32>
    %dot_general3A = arith.constant dense<0.000000e+00> : vector<2000x128xf32>
    %dot_general3A_5 = tpu.matmul %get3A_1, %get3A_4, %dot_general3A {dimension_numbers = #tpu.dot_dimension_numbers<[1], [0], [0], [1], [0, 0, 1, 1], [], []>, transpose_lhs_hint = false} : vector<2000x128xf32>, vector<128x128xf32>, vector<2000x128xf32> -> vector<2000x128xf32>
    %swap3A = arith.constant 0 : index
    %swap3A_6 = arith.constant 0 : index
    %swap3A_7 = vector.load %arg4[%swap3A, %swap3A_6] : memref<2000x128xf32, #tpu.memory_space<vmem>>, vector<2000x128xf32>
    tpu.vector_store %arg4[%swap3A, %swap3A_6], %dot_general3A_5 {strides = array<i32>} : memref<2000x128xf32, #tpu.memory_space<vmem>>, vector<2000x128xf32>,
    %get3A_8 = arith.constant 0 : index
    %get3A_9 = arith.constant 0 : index
    %get3A_10 = vector.load %arg3[%get3A_8, %get3A_9] : memref<128x128xf32, #tpu.memory_space<vmem>>, vector<128x128xf32>
    %dot_general3A_11 = arith.constant dense<0.000000e+00> : vector<2000x128xf32>
    %dot_general3A_12 = tpu.matmul %get3A_1, %get3A_10, %dot_general3A_11 {dimension_numbers = #tpu.dot_dimension_numbers<[1], [0], [0], [1], [0, 0, 1, 1], [], []>, transpose_lhs_hint = false} : vector<2000x128xf32>, vector<128x128xf32>, vector<2000x128xf32> -> vector<2000x128xf32>
    %swap3A_13 = arith.constant 0 : index
    %swap3A_14 = arith.constant 0 : index
    %swap3A_15 = vector.load %arg5[%swap3A_13, %swap3A_14] : memref<2000x128xf32, #tpu.memory_space<vmem>>, vector<2000x128xf32>
    tpu.vector_store %arg5[%swap3A_13, %swap3A_14], %dot_general3A_12 {strides = array<i32>} : memref<2000x128xf32, #tpu.memory_space<vmem>>, vector<2000x128xf32>,
    return
  }
  func.func @transform_0(%arg0: i32) -> (i32, i32) {
    %c0_i32 = arith.constant 0 : i32
    %c0_i32_0 = arith.constant 0 : i32
    return %arg0, %c0_i32 : i32, i32
  }
  func.func @transform_1(%arg0: i32) -> (i32, i32) {
    %c0_i32 = arith.constant 0 : i32
    %c0_i32_0 = arith.constant 0 : i32
    %c0_i32_1 = arith.constant 0 : i32
    return %c0_i32, %c0_i32_0 : i32, i32
  }
  func.func @transform_2(%arg0: i32) -> (i32, i32) {
    %c0_i32 = arith.constant 0 : i32
    %c0_i32_0 = arith.constant 0 : i32
    %c0_i32_1 = arith.constant 0 : i32
    return %c0_i32, %c0_i32_0 : i32, i32
  }
  func.func @transform_3(%arg0: i32) -> (i32, i32) {
    %c0_i32 = arith.constant 0 : i32
    %c0_i32_0 = arith.constant 0 : i32
    return %arg0, %c0_i32 : i32, i32
  }
  func.func @transform_4(%arg0: i32) -> (i32, i32) {
    %c0_i32 = arith.constant 0 : i32
    %c0_i32_0 = arith.constant 0 : i32
    return %arg0, %c0_i32 : i32, i32
  }
}

module attributes {stable_mosaic.version = 14 : i64} {
  func.func @_mlp_body(%arg0: i32, %arg1: memref<2000x128xf32, #tpu.memory_space<vmem>>, %arg2: memref<2000x16xf32, #tpu.memory_space<vmem>>, %arg3: memref<16x128xf32, #tpu.memory_space<vmem>>, %arg4: memref<1x128xf32, #tpu.memory_space<vmem>>, %arg5: memref<128x128xbf16, #tpu.memory_space<vmem>>, %arg6: memref<1x128xf32, #tpu.memory_space<vmem>>, %arg7: memref<128x128xbf16, #tpu.memory_space<vmem>>, %arg8: memref<1x128xf32, #tpu.memory_space<vmem>>, %arg9: memref<128x128xbf16, #tpu.memory_space<vmem>>, %arg10: memref<1x128xf32, #tpu.memory_space<vmem>>, %arg11: memref<2000x128xf32, #tpu.memory_space<vmem>>) attributes {dimension_semantics = [#tpu.dimension_semantics<arbitrary>], iteration_bounds = array<i64: 160>, scalar_prefetch = 0 : i64, scratch_operands = 0 : i64, tpu.core_type = #tpu.core_type<tc>, window_params = [{transform_indices = @transform_0, window_bounds = array<i64: 2000, 128>}, {transform_indices = @transform_1, window_bounds = array<i64: 2000, 16>}, {pipeline_mode = #tpu.pipeline_mode<synchronous>, transform_indices = @transform_2, window_bounds = array<i64: 16, 128>}, {pipeline_mode = #tpu.pipeline_mode<synchronous>, transform_indices = @transform_3, window_bounds = array<i64: 1, 128>}, {pipeline_mode = #tpu.pipeline_mode<synchronous>, transform_indices = @transform_4, window_bounds = array<i64: 128, 128>}, {pipeline_mode = #tpu.pipeline_mode<synchronous>, transform_indices = @transform_5, window_bounds = array<i64: 1, 128>}, {pipeline_mode = #tpu.pipeline_mode<synchronous>, transform_indices = @transform_6, window_bounds = array<i64: 128, 128>}, {pipeline_mode = #tpu.pipeline_mode<synchronous>, transform_indices = @transform_7, window_bounds = array<i64: 1, 128>}, {pipeline_mode = #tpu.pipeline_mode<synchronous>, transform_indices = @transform_8, window_bounds = array<i64: 128, 128>}, {pipeline_mode = #tpu.pipeline_mode<synchronous>, transform_indices = @transform_9, window_bounds = array<i64: 1, 128>}, {transform_indices = @transform_10, window_bounds = array<i64: 2000, 128>}]} {
    %get3A = arith.constant 0 : index
    %get3A_0 = arith.constant 0 : index
    %get3A_1 = vector.load %arg1[%get3A, %get3A_0] : memref<2000x128xf32, #tpu.memory_space<vmem>>, vector<2000x128xf32>
    %get3A_2 = arith.constant 0 : index
    %get3A_3 = arith.constant 0 : index
    %get3A_4 = vector.load %arg2[%get3A_2, %get3A_3] : memref<2000x16xf32, #tpu.memory_space<vmem>>, vector<2000x16xf32>
    %get3A_5 = arith.constant 0 : index
    %get3A_6 = arith.constant 0 : index
    %get3A_7 = vector.load %arg3[%get3A_5, %get3A_6] : memref<16x128xf32, #tpu.memory_space<vmem>>, vector<16x128xf32>
    %dot_general3A = arith.constant dense<0.000000e+00> : vector<2000x128xf32>
    %dot_general3A_8 = tpu.matmul %get3A_4, %get3A_7, %dot_general3A {dimension_numbers = #tpu.dot_dimension_numbers<[1], [0], [0], [1], [0, 0, 1, 1], [], []>, transpose_lhs_hint = false} : vector<2000x16xf32>, vector<16x128xf32>, vector<2000x128xf32> -> vector<2000x128xf32>
    %add3A = arith.addf %get3A_1, %dot_general3A_8 : vector<2000x128xf32>
    %get3A_9 = arith.constant 0 : index
    %get3A_10 = arith.constant 0 : index
    %get3A_11 = vector.load %arg4[%get3A_9, %get3A_10] : memref<1x128xf32, #tpu.memory_space<vmem>>, vector<1x128xf32>
    %add3A_12 = vector.broadcast %get3A_11 : vector<1x128xf32> to vector<2000x128xf32>
    %add3A_13 = arith.addf %add3A, %add3A_12 : vector<2000x128xf32>
    %gt3A = arith.constant 0.000000e+00 : f32
    %gt3A_14 = vector.broadcast %gt3A : f32 to vector<2000x128xf32>
    %gt3A_15 = arith.cmpf ogt, %add3A_13, %gt3A_14 : vector<2000x128xf32>
    %mul3A = arith.constant 0.00999999977 : f32
    %mul3A_16 = vector.broadcast %mul3A : f32 to vector<2000x128xf32>
    %mul3A_17 = arith.mulf %mul3A_16, %add3A_13 : vector<2000x128xf32>
    %select_n3A = arith.select %gt3A_15, %add3A_13, %mul3A_17 : vector<2000x128xi1>, vector<2000x128xf32>
    %convert_element_type3A = arith.truncf %select_n3A : vector<2000x128xf32> to vector<2000x128xbf16>
    %get3A_18 = arith.constant 0 : index
    %get3A_19 = arith.constant 0 : index
    %get3A_20 = vector.load %arg5[%get3A_18, %get3A_19] : memref<128x128xbf16, #tpu.memory_space<vmem>>, vector<128x128xbf16>
    %dot_general3A_21 = arith.constant dense<0.000000e+00> : vector<2000x128xf32>
    %dot_general3A_22 = tpu.matmul %convert_element_type3A, %get3A_20, %dot_general3A_21 {dimension_numbers = #tpu.dot_dimension_numbers<[1], [0], [0], [1], [0, 0, 1, 1], [], []>, transpose_lhs_hint = false} : vector<2000x128xbf16>, vector<128x128xbf16>, vector<2000x128xf32> -> vector<2000x128xf32>
    %get3A_23 = arith.constant 0 : index
    %get3A_24 = arith.constant 0 : index
    %get3A_25 = vector.load %arg6[%get3A_23, %get3A_24] : memref<1x128xf32, #tpu.memory_space<vmem>>, vector<1x128xf32>
    %add3A_26 = vector.broadcast %get3A_25 : vector<1x128xf32> to vector<2000x128xf32>
    %add3A_27 = arith.addf %dot_general3A_22, %add3A_26 : vector<2000x128xf32>
    %gt3A_28 = arith.constant 0.000000e+00 : f32
    %gt3A_29 = vector.broadcast %gt3A_28 : f32 to vector<2000x128xf32>
    %gt3A_30 = arith.cmpf ogt, %add3A_27, %gt3A_29 : vector<2000x128xf32>
    %mul3A_31 = arith.constant 0.00999999977 : f32
    %mul3A_32 = vector.broadcast %mul3A_31 : f32 to vector<2000x128xf32>
    %mul3A_33 = arith.mulf %mul3A_32, %add3A_27 : vector<2000x128xf32>
    %select_n3A_34 = arith.select %gt3A_30, %add3A_27, %mul3A_33 : vector<2000x128xi1>, vector<2000x128xf32>
    %convert_element_type3A_35 = arith.truncf %select_n3A_34 : vector<2000x128xf32> to vector<2000x128xbf16>
    %get3A_36 = arith.constant 0 : index
    %get3A_37 = arith.constant 0 : index
    %get3A_38 = vector.load %arg7[%get3A_36, %get3A_37] : memref<128x128xbf16, #tpu.memory_space<vmem>>, vector<128x128xbf16>
    %dot_general3A_39 = arith.constant dense<0.000000e+00> : vector<2000x128xf32>
    %dot_general3A_40 = tpu.matmul %convert_element_type3A_35, %get3A_38, %dot_general3A_39 {dimension_numbers = #tpu.dot_dimension_numbers<[1], [0], [0], [1], [0, 0, 1, 1], [], []>, transpose_lhs_hint = false} : vector<2000x128xbf16>, vector<128x128xbf16>, vector<2000x128xf32> -> vector<2000x128xf32>
    %get3A_41 = arith.constant 0 : index
    %get3A_42 = arith.constant 0 : index
    %get3A_43 = vector.load %arg8[%get3A_41, %get3A_42] : memref<1x128xf32, #tpu.memory_space<vmem>>, vector<1x128xf32>
    %add3A_44 = vector.broadcast %get3A_43 : vector<1x128xf32> to vector<2000x128xf32>
    %add3A_45 = arith.addf %dot_general3A_40, %add3A_44 : vector<2000x128xf32>
    %gt3A_46 = arith.constant 0.000000e+00 : f32
    %gt3A_47 = vector.broadcast %gt3A_46 : f32 to vector<2000x128xf32>
    %gt3A_48 = arith.cmpf ogt, %add3A_45, %gt3A_47 : vector<2000x128xf32>
    %mul3A_49 = arith.constant 0.00999999977 : f32
    %mul3A_50 = vector.broadcast %mul3A_49 : f32 to vector<2000x128xf32>
    %mul3A_51 = arith.mulf %mul3A_50, %add3A_45 : vector<2000x128xf32>
    %select_n3A_52 = arith.select %gt3A_48, %add3A_45, %mul3A_51 : vector<2000x128xi1>, vector<2000x128xf32>
    %convert_element_type3A_53 = arith.truncf %select_n3A_52 : vector<2000x128xf32> to vector<2000x128xbf16>
    %get3A_54 = arith.constant 0 : index
    %get3A_55 = arith.constant 0 : index
    %get3A_56 = vector.load %arg9[%get3A_54, %get3A_55] : memref<128x128xbf16, #tpu.memory_space<vmem>>, vector<128x128xbf16>
    %dot_general3A_57 = arith.constant dense<0.000000e+00> : vector<2000x128xf32>
    %dot_general3A_58 = tpu.matmul %convert_element_type3A_53, %get3A_56, %dot_general3A_57 {dimension_numbers = #tpu.dot_dimension_numbers<[1], [0], [0], [1], [0, 0, 1, 1], [], []>, transpose_lhs_hint = false} : vector<2000x128xbf16>, vector<128x128xbf16>, vector<2000x128xf32> -> vector<2000x128xf32>
    %get3A_59 = arith.constant 0 : index
    %get3A_60 = arith.constant 0 : index
    %get3A_61 = vector.load %arg10[%get3A_59, %get3A_60] : memref<1x128xf32, #tpu.memory_space<vmem>>, vector<1x128xf32>
    %add3A_62 = vector.broadcast %get3A_61 : vector<1x128xf32> to vector<2000x128xf32>
    %add3A_63 = arith.addf %dot_general3A_58, %add3A_62 : vector<2000x128xf32>
    %swap3A = arith.constant 0 : index
    %swap3A_64 = arith.constant 0 : index
    %swap3A_65 = vector.load %arg11[%swap3A, %swap3A_64] : memref<2000x128xf32, #tpu.memory_space<vmem>>, vector<2000x128xf32>
    tpu.vector_store %arg11[%swap3A, %swap3A_64], %add3A_63 {strides = array<i32>} : memref<2000x128xf32, #tpu.memory_space<vmem>>, vector<2000x128xf32>,
    return
  }
  func.func @transform_0(%arg0: i32) -> (i32, i32) {
    %c0_i32 = arith.constant 0 : i32
    %c0_i32_0 = arith.constant 0 : i32
    return %arg0, %c0_i32 : i32, i32
  }
  func.func @transform_1(%arg0: i32) -> (i32, i32) {
    %c0_i32 = arith.constant 0 : i32
    %c0_i32_0 = arith.constant 0 : i32
    return %arg0, %c0_i32 : i32, i32
  }
  func.func @transform_2(%arg0: i32) -> (i32, i32) {
    %c0_i32 = arith.constant 0 : i32
    %c0_i32_0 = arith.constant 0 : i32
    %c0_i32_1 = arith.constant 0 : i32
    return %c0_i32, %c0_i32_0 : i32, i32
  }
  func.func @transform_3(%arg0: i32) -> (i32, i32) {
    %c0_i32 = arith.constant 0 : i32
    %c0_i32_0 = arith.constant 0 : i32
    %c0_i32_1 = arith.constant 0 : i32
    return %c0_i32, %c0_i32_0 : i32, i32
  }
  func.func @transform_4(%arg0: i32) -> (i32, i32) {
    %c0_i32 = arith.constant 0 : i32
    %c0_i32_0 = arith.constant 0 : i32
    %c0_i32_1 = arith.constant 0 : i32
    return %c0_i32, %c0_i32_0 : i32, i32
  }
  func.func @transform_5(%arg0: i32) -> (i32, i32) {
    %c0_i32 = arith.constant 0 : i32
    %c0_i32_0 = arith.constant 0 : i32
    %c0_i32_1 = arith.constant 0 : i32
    return %c0_i32, %c0_i32_0 : i32, i32
  }
  func.func @transform_6(%arg0: i32) -> (i32, i32) {
    %c0_i32 = arith.constant 0 : i32
    %c0_i32_0 = arith.constant 0 : i32
    %c0_i32_1 = arith.constant 0 : i32
    return %c0_i32, %c0_i32_0 : i32, i32
  }
  func.func @transform_7(%arg0: i32) -> (i32, i32) {
    %c0_i32 = arith.constant 0 : i32
    %c0_i32_0 = arith.constant 0 : i32
    %c0_i32_1 = arith.constant 0 : i32
    return %c0_i32, %c0_i32_0 : i32, i32
  }
  func.func @transform_8(%arg0: i32) -> (i32, i32) {
    %c0_i32 = arith.constant 0 : i32
    %c0_i32_0 = arith.constant 0 : i32
    %c0_i32_1 = arith.constant 0 : i32
    return %c0_i32, %c0_i32_0 : i32, i32
  }
  func.func @transform_9(%arg0: i32) -> (i32, i32) {
    %c0_i32 = arith.constant 0 : i32
    %c0_i32_0 = arith.constant 0 : i32
    %c0_i32_1 = arith.constant 0 : i32
    return %c0_i32, %c0_i32_0 : i32, i32
  }
  func.func @transform_10(%arg0: i32) -> (i32, i32) {
    %c0_i32 = arith.constant 0 : i32
    %c0_i32_0 = arith.constant 0 : i32
    return %arg0, %c0_i32 : i32, i32
  }
}

module attributes {stable_mosaic.version = 14 : i64} {
  func.func @_combine_body(%arg0: i32, %arg1: memref<2x2000x128xf32, #tpu.memory_space<vmem>>, %arg2: memref<2000x128xf32, #tpu.memory_space<vmem>>) attributes {dimension_semantics = [#tpu.dimension_semantics<arbitrary>], iteration_bounds = array<i64: 5>, scalar_prefetch = 0 : i64, scratch_operands = 0 : i64, tpu.core_type = #tpu.core_type<tc>, window_params = [{transform_indices = @transform_0, window_bounds = array<i64: 2, 2000, 128>}, {transform_indices = @transform_1, window_bounds = array<i64: 2000, 128>}]} {
    %get3A = arith.constant 0 : index
    %get3A_0 = arith.constant 0 : index
    %get3A_1 = arith.constant 0 : index
    %get3A_2 = vector.load %arg1[%get3A, %get3A_0, %get3A_1] : memref<2x2000x128xf32, #tpu.memory_space<vmem>>, vector<1x2000x128xf32>
    %get3A_3 = vector.shape_cast %get3A_2 : vector<1x2000x128xf32> to vector<2000x128xf32>
    %get3A_4 = arith.constant 1 : index
    %get3A_5 = arith.constant 0 : index
    %get3A_6 = arith.constant 0 : index
    %get3A_7 = vector.load %arg1[%get3A_4, %get3A_5, %get3A_6] : memref<2x2000x128xf32, #tpu.memory_space<vmem>>, vector<1x2000x128xf32>
    %get3A_8 = vector.shape_cast %get3A_7 : vector<1x2000x128xf32> to vector<2000x128xf32>
    %add3A = arith.addf %get3A_3, %get3A_8 : vector<2000x128xf32>
    %swap3A = arith.constant 0 : index
    %swap3A_9 = arith.constant 0 : index
    %swap3A_10 = vector.load %arg2[%swap3A, %swap3A_9] : memref<2000x128xf32, #tpu.memory_space<vmem>>, vector<2000x128xf32>
    tpu.vector_store %arg2[%swap3A, %swap3A_9], %add3A {strides = array<i32>} : memref<2000x128xf32, #tpu.memory_space<vmem>>, vector<2000x128xf32>,
    return
  }
  func.func @transform_0(%arg0: i32) -> (i32, i32, i32) {
    %c0_i32 = arith.constant 0 : i32
    %c0_i32_0 = arith.constant 0 : i32
    %c0_i32_1 = arith.constant 0 : i32
    return %c0_i32, %arg0, %c0_i32_0 : i32, i32, i32
  }
  func.func @transform_1(%arg0: i32) -> (i32, i32) {
    %c0_i32 = arith.constant 0 : i32
    %c0_i32_0 = arith.constant 0 : i32
    return %arg0, %c0_i32 : i32, i32
  }
}

</mosaic_0001>

<sc_bundles>
// kernel: kernel.10.cloned.1.call-start
scs
__scs_entry_jumppad:
0x0: {  	(pc) =	sbr.rel $0x88, $3  }
0x1: {  	(tag) =	ssettag $0x0;
	lr =	simm.s32 $0x1  }
0x2: {  	[smem:$0x3F96] =	sst lr;
	_ =	strace $0xD0000000  }
0x3: {  	_ = 	snop  }
0x4: {  	_ = 	snop  }
0x5: {  	_ = 	snop  }
0x6: {  	_ = 	snop  }
0x7: {  	_ = 	snop  }
__scs_overlays_trampoline_lowered:
0x8: {  	[smem:$0x3FA5] =	sst s0  }
0x9: {  	[smem:$0x3FA6] =	sst s1  }
0xa: {  	[smem:$0x3FA7] =	sst s2  }
0xb: {  	[smem:$0x3FA8] =	sst s3  }
0xc: {  	[smem:$0x3FA9] =	sst s4  }
0xd: {  	[smem:$0x3FAA] =	sst s5  }
0xe: {  	[smem:$0x3FAB] =	sst s6  }
0xf: {  	[smem:$0x3FAC] =	sst s7  }
0x10: {  	[smem:$0x3FAD] =	sst s8  }
0x11: {  	[smem:$0x3FAE] =	sst s9;
	s0 =	simm.s32 @!p0 $0x0  }
0x12: {  	s1 =	sld [smem:$0x3F94];
	s0 =	simm.s32 @p0 $0x1  }
0x13: {  	[smem:$0x3FAF] =	sst s0;
	s0 =	simm.s32 @!p1 $0x0  }
0x14: {  	s2 =	sld [smem:$0x3F93];
	s0 =	simm.s32 @p1 $0x1  }
0x15: {  	[smem:$0x3FB0] =	sst s0;
	s0 =	simm.s32 @!p2 $0x0  }
0x16: {  	s3 =	sld [smem:$0x3FDB];
	s0 =	simm.s32 @p2 $0x1  }
0x17: {  	s4 =	simm.s32 $0x1BF5;
	[smem:$0x3FB2] =	sst s0  }
0x18: {  	s0 =	sld [smem:$0x3F95];
	_ =	swait.ge [sflag:s4], $0x0  }
0x19: {  	s7 =	sld [smem:$0x3F96]  }
0x1a: {  	s8 =	sadd.s32 $0xFFFFE003, lr  }
0x1b: {  	s9 =	sadd.s32 $0xFFFFFEF7, lr;
	s5 =	simm.s32 $0xFFFFFFFF;
	p2 =	slt.u32 s8, $0xFFFFF086  }
0x1c: {  	p1 =	slt.u32 s9, $0xF7A;
	s5 =	simm.s32 @!p2 $0x0  }
0x1d: {  	s5 =	simm.s32 @p1 $0x1;
	p0 =	seq.s32 s7, s2  }
0x1e: {  	s7 =	smul.u32 @!p0 $0xF7A, s2;
	p2 =	seq.s32 @!p0 s5, $0x0  }
0x1f: {  	s9 =	smul.u32 $0xF7A, s1;
	s8 =	simm.s32 @!p0 $0x1BF5;
	p2 =	por !p2, p0  }
0x20: {  	[sflag:s8] =	ssyncset.s32 @!p0 $0xFFFFF086;
	s6 =	sadd.s32 @!p0 s3, s7;
	s7 =	simm.s32 @!p0 $0x108  }
0x21: {  	s3 =	sadd.s32 s3, s9;
	s6 =	sadd.s32 @!p0 $0x88, s6;
	s7 =	simm.s32 @p2 $0x1082  }
0x22: {  	[simem:s7], [sflag:s8] =	dma.local @!p0 [hbm:s6], $0xF7A  }
0x23: {  	s9 =	sor.u32 $0xD0000000, s2;
	s6 =	simm.s32 $0x108;
	_ =	swait.ge @!p0 [sflag:s8], $0x0  }
0x24: {  	s3 =	sadd.s32 $0x88, s3;
	s6 =	simm.s32 @!p1 $0x1082;
	[sflag:s4] =	ssyncset.s32 $0xFFFFF086  }
0x25: {  	[simem:s6], [sflag:s4] =	dma.local [hbm:s3], $0xF7A  }
0x26: {  	[smem:$0x3F96] =	sst s1;
	(tag) =	ssettag s2;
	_ =	strace s9  }
0x27: {  	s1 =	sld [smem:$0x3FA6]  }
0x28: {  	s2 =	sld [smem:$0x3FA7]  }
0x29: {  	s4 =	sld [smem:$0x3FA9]  }
0x2a: {  	p0 =	seq.s32 s5, $0x0;
	s5 =	sld [smem:$0x3FAA]  }
0x2b: {  	s6 =	sld [smem:$0x3FAB]  }
0x2c: {  	s7 =	sld [smem:$0x3FAC]  }
0x2d: {  	s3 =	simm.s32 $0x108;
	s8 =	sld [smem:$0x3FAD]  }
0x2e: {  	s3 =	simm.s32 @!p0 $0x1082;
	s9 =	sld [smem:$0x3FAE]  }
0x2f: {  	lr =	sadd.s32 s0, s3;
	s0 =	sld [smem:$0x3FA5]  }
0x30: {  	s3 =	sld [smem:$0x3FA8]  }
0x31: {  	[smem:$0x3FB1] =	sst s10  }
0x32: {  	s10 =	sld [smem:$0x3FAF];
	_ =	sdelay $0x3  }
0x33: {  	p0 =	seq.s32 s10, $0x1;
	s10 =	sld [smem:$0x3FB1];
	_ =	sdelay $0x3  }
0x34: {  	[smem:$0x3FB1] =	sst s10  }
0x35: {  	s10 =	sld [smem:$0x3FB0];
	_ =	sdelay $0x3  }
0x36: {  	p1 =	seq.s32 s10, $0x1;
	s10 =	sld [smem:$0x3FB1];
	_ =	sdelay $0x3  }
0x37: {  	[smem:$0x3FB1] =	sst s10  }
0x38: {  	s10 =	sld [smem:$0x3FB2]  }
0x39: {  	_ = 	snop;
	(pc) =	sbr.ind lr, $3  }
0x3a: {  	_ = 	snop  }
0x3b: {  	_ = 	snop  }
0x3c: {  	p2 =	seq.s32 s10, $0x1;
	s10 =	sld [smem:$0x3FB1]  }
0x3d: {  	_ =	shalt  }
0x3e: {  	_ =	shalt  }
0x3f: {  	_ =	shalt  }
0x40: {  	_ =	shalt  }
0x41: {  	_ =	shalt  }
0x42: {  	_ =	shalt  }
0x43: {  	_ =	shalt  }
0x44: {  	_ =	shalt  }
0x45: {  	_ =	shalt  }
0x46: {  	_ =	shalt  }
0x47: {  	_ =	shalt  }
0x48: {  	_ =	shalt  }
0x49: {  	_ =	shalt  }
0x4a: {  	_ =	shalt  }
0x4b: {  	_ =	shalt  }
0x4c: {  	_ =	shalt  }
0x4d: {  	_ =	shalt  }
0x4e: {  	_ =	shalt  }
0x4f: {  	_ =	shalt  }
0x50: {  	_ =	shalt  }
0x51: {  	_ =	shalt  }
0x52: {  	_ =	shalt  }
0x53: {  	_ =	shalt  }
0x54: {  	_ =	shalt  }
0x55: {  	_ =	shalt  }
0x56: {  	_ =	shalt  }
0x57: {  	_ =	shalt  }
0x58: {  	_ =	shalt  }
0x59: {  	_ =	shalt  }
0x5a: {  	_ =	shalt  }
0x5b: {  	_ =	shalt  }
0x5c: {  	_ =	shalt  }
0x5d: {  	_ =	shalt  }
0x5e: {  	_ =	shalt  }
0x5f: {  	_ =	shalt  }
0x60: {  	_ =	shalt  }
0x61: {  	_ =	shalt  }
0x62: {  	_ =	shalt  }
0x63: {  	_ =	shalt  }
0x64: {  	_ =	shalt  }
0x65: {  	_ =	shalt  }
0x66: {  	_ =	shalt  }
0x67: {  	_ =	shalt  }
0x68: {  	_ =	shalt  }
0x69: {  	_ =	shalt  }
0x6a: {  	_ =	shalt  }
0x6b: {  	_ =	shalt  }
0x6c: {  	_ =	shalt  }
0x6d: {  	_ =	shalt  }
0x6e: {  	_ =	shalt  }
0x6f: {  	_ =	shalt  }
0x70: {  	_ =	shalt  }
0x71: {  	_ =	shalt  }
0x72: {  	_ =	shalt  }
0x73: {  	_ =	shalt  }
0x74: {  	_ =	shalt  }
0x75: {  	_ =	shalt  }
0x76: {  	_ =	shalt  }
0x77: {  	_ =	shalt  }
0x78: {  	_ =	shalt  }
0x79: {  	_ =	shalt  }
0x7a: {  	_ =	shalt  }
0x7b: {  	_ =	shalt  }
0x7c: {  	_ =	shalt  }
0x7d: {  	_ =	shalt  }
0x7e: {  	_ =	shalt  }
0x7f: {  	_ =	shalt  }
0x80: {  	_ =	shalt  }
0x81: {  	_ =	shalt  }
0x82: {  	_ =	shalt  }
0x83: {  	_ =	shalt  }
0x84: {  	_ =	shalt  }
0x85: {  	_ =	shalt  }
0x86: {  	_ =	shalt  }
0x87: {  	_ =	shalt  }
.Lfunc_end0:
.L_simem_size_0:
called_computation.1_lowered:
.L_overlay_start_0:
0x88: {  	s2 =	sld [smem:$0x3FD9]  }
0x89: {  	s3 =	sld [smem:$0x3FFE];
	_ =	sdelay $0x1  }
0x8a: {  	s1 =	srdreg.scid  }
0x8b: {  	s0 =	sand.u32 $0x1, s1  }
0x8c: {  	s16 =	sshll.u32 s0, $0xA;
	s2 =	sadd.s32 s3, s2  }
0x8d: {  	s2 =	sadd.s32 s2, s16  }
0x8e: {  	[smem:$0x3FBD] =	sst s2  }
0x8f: {  	_ = 	snop  }
0x90: {  	(tm) =	ssettm $0x1  }
0x91: {  	s17 =	sld [smem:$0x3FFB];
	_ =	sdelay $0x3  }
0x92: {  	_ =	strace s17  }
0x93: {  	s2 =	sld [smem:$0x3FFC];
	_ =	sdelay $0x3  }
0x94: {  	_ =	strace s2  }
0x95: {  	s2 =	sld [smem:$0x3FFD];
	_ =	sdelay $0x3  }
0x96: {  	_ =	strace s2  }
0x97: {  	_ =	strace $0x8FFFFFFF  }
0x98: {  	s18 =	sld [smem:$0x3FDB];
	_ =	sdelay $0x1  }
0x99: {  	s19 =	simm.s32 $_scs_section_size  }
0x9a: {  	s4 =	simm.s32 $_size__tile_overlayer_lowered;
	s5 =	simm.s32 $_tile_overlayer_lowered  }
0x9b: {  	s22 =	simm.s32 $0x1BFF;
	s21 =	sshll.u32 s5, $0x1;
	s2 =	sadd.s32 s19, s18  }
0x9c: {  	s6 =	simm.s32 $0x0;
	s20 =	sshll.u32 s4, $0x1;
	s4 =	sadd.s32 s21, s2  }
0x9d: {  	[timem:s6], [sflag:s22] =	dma.local [hbm:s4], s20  }
0x9e: {  	_ =	swait.ge [sflag:s22], s20  }
0x9f: {  	s3 =	ssub.s32 $0x0, s20;
	[sflag:s22] =	ssyncset.done $0x0  }
0xa0: {  	[sflag:s22] =	ssyncadd.s32 s3;
	_ =	sdelay $0x1  }
0xa1: {  	s23 =	simm.s32 $0x1B8B  }
0xa2: {  	_ =	swait.ge [sflag:s23], $0x1  }
0xa3: {  	[sflag:s23] =	ssyncset.done $0x0  }
0xa4: {  	s25 =	simm.s32 $0x1B8E;
	s24 =	sld [smem:$0x3FFE];
	[sflag:s23] =	ssyncadd.s32 $0xFFFFFFFF  }
0xa5: {  	s26 =	simm.s32 $execute0_lowered;
	[smem:$0x3FD2] =	sst s25  }
0xa6: {  	s4 =	sshll.u32 s26, $0x1;
	_ =	strace $0x80000049;
	[dreg:$0x1] =	wrdreg $0xFFFFFFFF  }
0xa7: {  	s28 =	simm.s32 $_size_execute0_lowered;
	s2 =	sadd.s32 s2, s4;
	[dreg:$0x0] =	wrdreg $0x0  }
0xa8: {  	s4 =	sshll.u32 s28, $0x1;
	[dreg:$0x2] =	wrdreg s2  }
0xa9: {  	[dreg:$0x3] =	wrdreg s4  }
0xaa: {  	[dreg:$0x4] =	wrdreg $0xC0  }
0xab: {  	_ =	task [dreg:s6], $0x5FFFF  }
0xac: {  	[dreg:$0x1] =	wrdreg $0xFFFFFFFF  }
0xad: {  	[dreg:$0x0] =	wrdreg $0x60  }
0xae: {  	[dreg:$0x2] =	wrdreg s24  }
0xaf: {  	[dreg:$0x3] =	wrdreg $0xB8000  }
0xb0: {  	[dreg:$0x4] =	wrdreg $0x9  }
0xb1: {  	_ =	task.clear_ibuf [dreg:s6], $0x5FFFF;
	_ =	strace $0x90000049  }
0xb2: {  	s29 =	simm.s32 $0x9;
	_ =	strace $0x8000004B  }
0xb3: {  	_ =	swait.ge [sflag:s29], $0x1  }
0xb4: {  	[sflag:s29] =	ssyncadd.s32 $0xFFFFFFFF  }
0xb5: {  	_ =	strace $0x9000004B  }
0xb6: {  	_ =	sfence  }
0xb7: {  	s30 =	sld [smem:$0x0];
	_ =	sdelay $0x2  }
0xb8: {  	s31 =	sshll.u32 s1, $0xD;
	s1 =	sshrl.u32 s1, $0x2  }
0xb9: {  	s3 =	sand.u32 $0x4000, s31;
	s1 =	sadd.s32 s1, s30  }
0xba: {  	s0 =	sor.u32 s3, s0;
	s1 =	sshll.u32 s1, $0x11  }
0xbb: {  	s0 =	sor.u32 s1, s0  }
0xbc: {  	s0 =	sadd.s32 $0x8F2B, s0  }
0xbd: {  	[sflag:s0] =	ssyncadd.remote.s32 $0x1  }
0xbe: {  	_ =	sfence.sel $0xFFFF  }
0xbf: {  	[dreg:$0x0] =	wrdreg $0xFFFFFFFF;
	(pc) =	sbr.abs _section_cstart, $3  }
0xc0: {  	[dreg:$0x1] =	wrdreg $0xFFFFFFFF  }
0xc1: {  	_ =	task.clear_ibuf [dreg:s6], $0x2FFFF;
	_ =	strace $0x9FFFFFFF  }
0xc2: {  	(tm) =	ssettm $0x7FFFFFFF  }
0xc3: {  	_ =	shalt  }
tec
execute0_lowered:
.L_overlay_start_1:
0x0: {  	(tag) =	ssettag $0x1  }
0x1: {  	s26 =	stileid.u32  }
0x2: {  	s0 =	srdreg.scid;
	s4 =	smul.u32 $0xA000, s26  }
0x3: {  	s0 =	sand.u32 $0x1, s0;
	s7 =	smul.u32 $0x2800, s26  }
0x4: {  	s11 =	sor.u32 $0x10, s26;
	s6 =	smul.u32 $0x138800, s0  }
0x5: {  	s13 =	sor.u32 $0x20, s26;
	s9 =	smul.u32 $0x2800, s11  }
0x6: {  	s14 =	sor.u32 $0x30, s26;
	s12 =	smul.u32 $0x2800, s13  }
0x7: {  	s3 =	rddreg [dreg:$0x0];
	s15 =	sor.u32 $0x40, s26;
	s16 =	smul.u32 $0x2800, s14  }
0x8: {  	s2 =	rddreg [dreg:$0x1];
	s18 =	sor.u32 $0x50, s26;
	s19 =	smul.u32 $0x2800, s15  }
0x9: {  	s28 =	simm.s32 $0x3;
	s21 =	sor.u32 $0x70, s26;
	s20 =	smul.u32 $0x2800, s18  }
0xa: {  	s29 =	simm.s32 $0x4000;
	s30 =	simm.s32 $0x6800;
	s23 =	smul.u32 $0x2800, s21  }
0xb: {  	s31 =	simm.s32 $0x1;
	s5 =	sadd.s32 $0xA10A00, s3;
	s18 =	smul.u32 $0xA000, s18  }
0xc: {  	s1 =	sshll.u32 s26, $0x1;
	p0 =	sgt.u32 s26, $0xC;
	s21 =	smul.u32 $0xA000, s21  }
0xd: {  	s8 =	sor.u32 s0, s1;
	s25 =	ssub.s32 $0x2, s0;
	s0 =	smul.u32 $0x27100, s0  }
0xe: {  	s10 =	sshll.u32 s8, $0xB;
	s17 =	sshrl.u32 s25, $0x1;
	s4 =	sshrl.u32 s4, $0x2  }
0xf: {  	s1 =	ssub.s32 s25, s17;
	s17 =	sor.u32 $0x60, s26;
	s7 =	sadd.s32 s7, s6  }
0x10: {  	s9 =	sadd.s32 s6, s9;
	s12 =	sadd.s32 s6, s12;
	s16 =	sadd.s32 s6, s16  }
0x11: {  	s19 =	sadd.s32 s6, s19;
	s20 =	sadd.s32 s6, s20;
	s25 =	smul.u32 $0x27100, s8  }
0x12: {  	s24 =	sadd.s32 s10, s3;
	s3 =	sadd.s32 $0x52EA00, s3;
	s22 =	smul.u32 $0x2800, s17  }
0x13: {  	s7 =	sshrl.u32 s7, $0x3;
	s9 =	sshrl.u32 s9, $0x3;
	s12 =	sshrl.u32 s12, $0x3  }
0x14: {  	s16 =	sshrl.u32 s16, $0x3;
	s19 =	sshrl.u32 s19, $0x3;
	s7 =	sadd.s32 s3, s7  }
0x15: {  	s10 =	sadd.s32 s3, s9;
	s9 =	sadd.s32 s3, s19;
	s19 =	smul.u32 $0x4E200, s26  }
0x16: {  	s26 =	simm.s32 $0x9000;
	s22 =	sadd.s32 s6, s22;
	[dreg:$0x3] =	wrdreg s7  }
0x17: {  	s6 =	sadd.s32 s6, s23;
	s23 =	smul.u32 $0x138800, s8;
	[dreg:$0x4] =	wrdreg s10  }
0x18: {  	s7 =	sadd.s32 s3, s12;
	s10 =	sshrl.u32 s20, $0x3;
	s20 =	smul.u32 $0xA000, s11  }
0x19: {  	[dreg:$0x7] =	wrdreg s9;
	s11 =	sadd.s32 s5, s25;
	s25 =	smul.u32 $0xA000, s13  }
0x1a: {  	s13 =	sadd.s32 s4, s2;
	s8 =	smul.u32 $0xA000, s15;
	[dreg:$0x5] =	wrdreg s7  }
0x1b: {  	s7 =	sadd.s32 s3, s16;
	s12 =	sadd.s32 s3, s10;
	s16 =	sshrl.u32 s22, $0x3  }
0x1c: {  	s6 =	sshrl.u32 s6, $0x3;
	s23 =	sshrl.u32 s23, $0x3;
	[dreg:$0x6] =	wrdreg s7  }
0x1d: {  	[dreg:$0x8] =	wrdreg s12;
	s9 =	sadd.s32 s3, s16;
	s10 =	sadd.s32 s3, s6  }
0x1e: {  	s3 =	sadd.s32 s19, s5;
	s12 =	simm.s32 $0x0;
	s7 =	smul.u32 $0xA000, s14  }
0x1f: {  	s6 =	sshrl.u32 s20, $0x2;
	s19 =	smul.u32 $0xA000, s17;
	s4 =	sshrl.u32 s8, $0x2  }
0x20: {  	s22 =	sadd.s32 s5, s23;
	[smem:$0x7FF] =	sst s12;
	s5 =	sshrl.u32 s25, $0x2  }
0x21: {  	s14 =	sadd.s32 s6, s2;
	s17 =	sadd.s32 s4, s2;
	s23 =	sshrl.u32 s18, $0x2  }
0x22: {  	s25 =	sshrl.u32 s21, $0x2;
	s21 =	sadd.s32 $0x51EA00, s24;
	s0 =	sadd.s32 s0, s3  }
0x23: {  	s24 =	sadd.s32 $0x26C00, s11;
	s3 =	simm.s32 $0x0;
	_ =	strace $0x8000004A  }
0x24: {  	s15 =	sadd.s32 s5, s2;
	s20 =	sshrl.u32 s7, $0x2;
	s5 =	sshrl.u32 s19, $0x2  }
0x25: {  	s18 =	sadd.s32 s23, s2;
	s22 =	sadd.s32 $0x500, s22;
	s23 =	smax.u32 s1, $0x1  }
0x26: {  	s6 =	sadd.s32 $0xF00, s0;
	s1 =	simm.s32 $0x50;
	s0 =	simm.s32 $0x2  }
0x27: {  	v0 =	vimm.f32 $0.0e+00;
	s16 =	sadd.s32 s20, s2;
	s19 =	sadd.s32 s5, s2;
	s20 =	sadd.s32 s25, s2  }
.LBB2_1:
0x28: {  	s4 =	simm.s32 $0x0;
	s5 =	simm.s32 $0x200  }
.LBB2_2:
0x29: {  	p1 =	sne.s32 s5, $0x9E00;
	[tilespmem:s4+$0x9070] =	vst v0  }
0x2a: {  	[tilespmem:s4+$0x9000] =	vst v0  }
0x2b: {  	[tilespmem:s4+$0x9010] =	vst v0  }
.Ltmp0:
0x2c: {  	[tilespmem:s4+$0x9020] =	vst v0;
	(pc) =	sbr.rel @p1 .LBB2_2-.Ltmp0, $4  }
0x2d: {  	[tilespmem:s4+$0x9030] =	vst v0  }
0x2e: {  	[tilespmem:s4+$0x9040] =	vst v0  }
0x2f: {  	[tilespmem:s4+$0x9050] =	vst v0  }
0x30: {  	[tilespmem:s4+$0x9060] =	vst v0;
	s4 =	sshra.s32 s5, $0x2;
	s5 =	sadd.s32 $0x200, s5  }
0x31: {  	[tilespmem:s4+$0x9070] =	vst v0  }
0x32: {  	[tilespmem:s4+$0x9000] =	vst v0  }
0x33: {  	[tilespmem:s4+$0x9010] =	vst v0  }
0x34: {  	[tilespmem:s4+$0x9020] =	vst v0  }
0x35: {  	[tilespmem:s4+$0x9030] =	vst v0  }
0x36: {  	[tilespmem:s4+$0x9040] =	vst v0  }
0x37: {  	[tilespmem:s4+$0x9050] =	vst v0  }
0x38: {  	[tilespmem:s4+$0x9060] =	vst v0  }
0x39: {  	[spmem:s13] =	stream.linear.scatter [tilespmem:s26], [sflag:$0x3], $0x2800, $0x38;
	[tilespmem:$0x1F080] =	vst v63  }
0x3a: {  	_ =	swait.ge [sflag:s28], $0x2800  }
0x3b: {  	[sflag:s28] =	ssyncset.done $0x0  }
0x3c: {  	[sflag:s28] =	ssyncadd.s32 $0xFFFFD800  }
0x3d: {  	[spmem:s14] =	stream.linear.scatter [tilespmem:s26], [sflag:$0x3], $0x2800, $0x38;
	[tilespmem:$0x1F080] =	vst v63  }
0x3e: {  	_ =	swait.ge [sflag:s28], $0x2800  }
0x3f: {  	[sflag:s28] =	ssyncset.done $0x0  }
0x40: {  	[sflag:s28] =	ssyncadd.s32 $0xFFFFD800  }
0x41: {  	[spmem:s15] =	stream.linear.scatter [tilespmem:s26], [sflag:$0x3], $0x2800, $0x38;
	[tilespmem:$0x1F080] =	vst v63  }
0x42: {  	_ =	swait.ge [sflag:s28], $0x2800  }
0x43: {  	[sflag:s28] =	ssyncset.done $0x0  }
0x44: {  	[sflag:s28] =	ssyncadd.s32 $0xFFFFD800  }
0x45: {  	[spmem:s16] =	stream.linear.scatter [tilespmem:s26], [sflag:$0x3], $0x2800, $0x38;
	[tilespmem:$0x1F080] =	vst v63  }
0x46: {  	_ =	swait.ge [sflag:s28], $0x2800  }
0x47: {  	[sflag:s28] =	ssyncset.done $0x0  }
0x48: {  	[sflag:s28] =	ssyncadd.s32 $0xFFFFD800  }
0x49: {  	[spmem:s17] =	stream.linear.scatter [tilespmem:s26], [sflag:$0x3], $0x2800, $0x38;
	[tilespmem:$0x1F080] =	vst v63  }
0x4a: {  	_ =	swait.ge [sflag:s28], $0x2800  }
0x4b: {  	[sflag:s28] =	ssyncset.done $0x0  }
0x4c: {  	[sflag:s28] =	ssyncadd.s32 $0xFFFFD800  }
0x4d: {  	[spmem:s18] =	stream.linear.scatter [tilespmem:s26], [sflag:$0x3], $0x2800, $0x38;
	[tilespmem:$0x1F080] =	vst v63  }
0x4e: {  	_ =	swait.ge [sflag:s28], $0x2800  }
0x4f: {  	[sflag:s28] =	ssyncset.done $0x0  }
0x50: {  	[sflag:s28] =	ssyncadd.s32 $0xFFFFD800  }
0x51: {  	[spmem:s19] =	stream.linear.scatter [tilespmem:s26], [sflag:$0x3], $0x2800, $0x38;
	[tilespmem:$0x1F080] =	vst v63  }
0x52: {  	_ =	swait.ge [sflag:s28], $0x2800  }
0x53: {  	[sflag:s28] =	ssyncset.done $0x0  }
0x54: {  	s4 =	simm.s32 @!p0 $0x9000;
	[sflag:s28] =	ssyncadd.s32 $0xFFFFD800  }
0x55: {  	[spmem:s20] =	stream.linear.scatter @!p0 [tilespmem:s4], [sflag:$0x3], $0x2800, $0x38;
	[tilespmem:$0x1F080] =	vst v63  }
0x56: {  	s4 =	simm.s32 @!p0 $0x3  }
0x57: {  	_ =	swait.ge @!p0 [sflag:s4], $0x2800  }
0x58: {  	[sflag:s4] =	ssyncset.done @!p0 $0x0  }
0x59: {  	[sflag:s4] =	ssyncadd.s32 @!p0 $0xFFFFD800  }
0x5a: {  	s5 =	simm.s32 $0x0;
	[bflag:$0x0] =	sbarrier.arrive $0xFFFF  }
0x5b: {  	[tilespmem:s5], [sflag:$0x3] =	stream.linear.gather [hbm4b:s21+s5], $0x3E80, $0x38;
	[tilespmem:$0x1F080] =	vst v63  }
0x5c: {  	_ =	swait.ge [sflag:s28], $0x3E80  }
0x5d: {  	[sflag:s28] =	ssyncset.done $0x0  }
0x5e: {  	[sflag:s28] =	ssyncadd.s32 $0xFFFFC180  }
0x5f: {  	[tilespmem:s29], [sflag:$0x1] =	stream.linear.gather [hbm4b:s11+s5], $0x2800, $0x38;
	[tilespmem:$0x1F080] =	vst v63  }
0x60: {  	_ = 	snop  }
0x61: {  	[tilespmem:s30], [sflag:$0x2] =	stream.linear.gather [hbm4b:s22+s5], $0x2800, $0x38;
	[tilespmem:$0x1F080] =	vst v63  }
0x62: {  	_ =	swait.ge [sflag:s31], $0x2800  }
0x63: {  	[sflag:s31] =	ssyncset.done $0x0  }
0x64: {  	s7 =	simm.s32 $0x0;
	[sflag:s31] =	ssyncadd.s32 $0xFFFFD800  }
0x65: {  	[spmem:s2] =	stream.indirect.scatter.add.f32 [tilespmem:s29], [sflag:$0x3], $0x80, s7, s1, $0xb8;
	[tilespmem:$0x1F080] =	vst v63  }
0x66: {  	_ =	swait.ge [sflag:s28], $0x2800  }
0x67: {  	[sflag:s28] =	ssyncset.done $0x0  }
0x68: {  	s8 =	sadd.s32 $0xFFFFFB00, s6;
	[sflag:s28] =	ssyncadd.s32 $0xFFFFD800  }
0x69: {  	[tilespmem:s29], [sflag:$0x1] =	stream.linear.gather [hbm4b:s8+s12], $0x2800, $0x38;
	[tilespmem:$0x1F080] =	vst v63  }
0x6a: {  	_ =	swait.ge [sflag:s0], $0x2800  }
0x6b: {  	[sflag:s0] =	ssyncset.done $0x0  }
0x6c: {  	s25 =	simm.s32 $0x80;
	[sflag:s0] =	ssyncadd.s32 $0xFFFFD800  }
0x6d: {  	[spmem:s2] =	stream.indirect.scatter.add.f32 [tilespmem:s30], [sflag:$0x3], $0x80, s25, s1, $0xb8;
	[tilespmem:$0x1F080] =	vst v63  }
0x6e: {  	_ =	swait.ge [sflag:s28], $0x2800  }
0x6f: {  	s4 =	simm.s32 $0x400;
	[sflag:s28] =	ssyncset.done $0x0  }
0x70: {  	s5 =	sadd.s32 $0xA00, s6;
	s25 =	smov.u32 s6;
	[sflag:s28] =	ssyncadd.s32 $0xFFFFD800  }
.LBB2_4:
0x71: {  	[tilespmem:s30], [sflag:$0x2] =	stream.linear.gather [hbm4b:s25+s12], $0x2800, $0x38;
	[tilespmem:$0x1F080] =	vst v63  }
0x72: {  	s7 =	smov.u32 s4;
	s25 =	smov.u32 s5  }
0x73: {  	p1 =	sne.s32 s4, $0xF000;
	s4 =	sadd.s32 $0x400, s4;
	_ =	swait.ge [sflag:s31], $0x2800  }
0x74: {  	[sflag:s31] =	ssyncset.done $0x0  }
0x75: {  	s7 =	sshra.s32 s7, $0x2;
	[sflag:s31] =	ssyncadd.s32 $0xFFFFD800  }
0x76: {  	[spmem:s2] =	stream.indirect.scatter.add.f32 [tilespmem:s29], [sflag:$0x3], $0x80, s7, s1, $0xb8;
	[tilespmem:$0x1F080] =	vst v63  }
0x77: {  	_ =	swait.ge [sflag:s28], $0x2800  }
0x78: {  	[sflag:s28] =	ssyncset.done $0x0  }
0x79: {  	s8 =	sadd.s32 $0xFFFFFB00, s5;
	[sflag:s28] =	ssyncadd.s32 $0xFFFFD800  }
0x7a: {  	[tilespmem:s29], [sflag:$0x1] =	stream.linear.gather [hbm4b:s8+s12], $0x2800, $0x38;
	[tilespmem:$0x1F080] =	vst v63  }
0x7b: {  	_ =	swait.ge [sflag:s0], $0x2800  }
0x7c: {  	[sflag:s0] =	ssyncset.done $0x0  }
.Ltmp1:
0x7d: {  	s7 =	sadd.s32 $0x80, s7;
	[sflag:s0] =	ssyncadd.s32 $0xFFFFD800;
	(pc) =	sbr.rel @p1 .LBB2_4-.Ltmp1, $4  }
0x7e: {  	[spmem:s2] =	stream.indirect.scatter.add.f32 [tilespmem:s30], [sflag:$0x3], $0x80, s7, s1, $0xb8;
	[tilespmem:$0x1F080] =	vst v63  }
0x7f: {  	_ =	swait.ge [sflag:s28], $0x2800  }
0x80: {  	[sflag:s28] =	ssyncset.done $0x0  }
0x81: {  	s5 =	sadd.s32 $0xA00, s5;
	[sflag:s28] =	ssyncadd.s32 $0xFFFFD800  }
0x82: {  	[tilespmem:s30], [sflag:$0x2] =	stream.linear.gather [hbm4b:s25+s12], $0x2800, $0x38;
	[tilespmem:$0x1F080] =	vst v63  }
0x83: {  	_ =	swait.ge [sflag:s31], $0x2800  }
0x84: {  	[sflag:s31] =	ssyncset.done $0x0  }
0x85: {  	s4 =	simm.s32 $0x3D00;
	[sflag:s31] =	ssyncadd.s32 $0xFFFFD800  }
0x86: {  	[spmem:s2] =	stream.indirect.scatter.add.f32 [tilespmem:s29], [sflag:$0x3], $0x80, s4, s1, $0xb8;
	[tilespmem:$0x1F080] =	vst v63  }
0x87: {  	_ =	swait.ge [sflag:s28], $0x2800  }
0x88: {  	[sflag:s28] =	ssyncset.done $0x0  }
0x89: {  	[sflag:s28] =	ssyncadd.s32 $0xFFFFD800  }
0x8a: {  	[tilespmem:s29], [sflag:$0x1] =	stream.linear.gather [hbm4b:s24+s12], $0x2800, $0x38;
	[tilespmem:$0x1F080] =	vst v63  }
0x8b: {  	_ =	swait.ge [sflag:s0], $0x2800  }
0x8c: {  	[sflag:s0] =	ssyncset.done $0x0  }
0x8d: {  	s25 =	simm.s32 $0x3D80;
	[sflag:s0] =	ssyncadd.s32 $0xFFFFD800  }
0x8e: {  	[spmem:s2] =	stream.indirect.scatter.add.f32 [tilespmem:s30], [sflag:$0x3], $0x80, s25, s1, $0xb8;
	[tilespmem:$0x1F080] =	vst v63  }
0x8f: {  	_ =	swait.ge [sflag:s28], $0x2800  }
0x90: {  	[sflag:s28] =	ssyncset.done $0x0  }
0x91: {  	[sflag:s28] =	ssyncadd.s32 $0xFFFFD800  }
0x92: {  	_ =	swait.ge [sflag:s31], $0x2800  }
0x93: {  	[sflag:s31] =	ssyncset.done $0x0  }
0x94: {  	s5 =	simm.s32 $0x3E00;
	[sflag:s31] =	ssyncadd.s32 $0xFFFFD800  }
0x95: {  	[spmem:s2] =	stream.indirect.scatter.add.f32 [tilespmem:s29], [sflag:$0x3], $0x80, s5, s1, $0xb8;
	[tilespmem:$0x1F080] =	vst v63  }
0x96: {  	_ =	swait.ge [sflag:s28], $0x2800  }
0x97: {  	[sflag:s28] =	ssyncset.done $0x0  }
0x98: {  	s7 =	stileid.u32;
	[sflag:s28] =	ssyncadd.s32 $0xFFFFD800  }
0x99: {  	s4 =	sshll.u32 s7, $0x6;
	[bflag:$0x0] =	sbarrier.arrive $0xFFFF  }
0x9a: {  	s4 =	sor.u32 $0x1C03, s4;
	s5 =	sshrl.u32 s13, $0x3;
	s7 =	rddreg [dreg:$0x3]  }
0x9b: {  	[hbm:s7], [sflag:s4] =	dma.local [spmem:s5], $0x500  }
0x9c: {  	_ =	swait.ge [sflag:s28], $0x500  }
0x9d: {  	[sflag:s28] =	ssyncset.done $0x0  }
0x9e: {  	s8 =	sshrl.u32 s14, $0x3;
	s25 =	rddreg [dreg:$0x4];
	[sflag:s28] =	ssyncadd.s32 $0xFFFFFB00  }
0x9f: {  	[hbm:s25], [sflag:s4] =	dma.local [spmem:s8], $0x500  }
0xa0: {  	_ =	swait.ge [sflag:s28], $0x500  }
0xa1: {  	[sflag:s28] =	ssyncset.done $0x0  }
0xa2: {  	s8 =	sshrl.u32 s15, $0x3;
	s25 =	rddreg [dreg:$0x5];
	[sflag:s28] =	ssyncadd.s32 $0xFFFFFB00  }
0xa3: {  	[hbm:s25], [sflag:s4] =	dma.local [spmem:s8], $0x500  }
0xa4: {  	_ =	swait.ge [sflag:s28], $0x500  }
0xa5: {  	[sflag:s28] =	ssyncset.done $0x0  }
0xa6: {  	s8 =	sshrl.u32 s16, $0x3;
	s25 =	rddreg [dreg:$0x6];
	[sflag:s28] =	ssyncadd.s32 $0xFFFFFB00  }
0xa7: {  	[hbm:s25], [sflag:s4] =	dma.local [spmem:s8], $0x500  }
0xa8: {  	_ =	swait.ge [sflag:s28], $0x500  }
0xa9: {  	[sflag:s28] =	ssyncset.done $0x0  }
0xaa: {  	s8 =	sshrl.u32 s17, $0x3;
	s25 =	rddreg [dreg:$0x7];
	[sflag:s28] =	ssyncadd.s32 $0xFFFFFB00  }
0xab: {  	[hbm:s25], [sflag:s4] =	dma.local [spmem:s8], $0x500  }
0xac: {  	_ =	swait.ge [sflag:s28], $0x500  }
0xad: {  	[sflag:s28] =	ssyncset.done $0x0  }
0xae: {  	s7 =	sshrl.u32 s18, $0x3;
	s8 =	rddreg [dreg:$0x8];
	[sflag:s28] =	ssyncadd.s32 $0xFFFFFB00  }
0xaf: {  	[hbm:s8], [sflag:s4] =	dma.local [spmem:s7], $0x500  }
0xb0: {  	_ =	swait.ge [sflag:s28], $0x500  }
0xb1: {  	[sflag:s28] =	ssyncset.done $0x0  }
0xb2: {  	s25 =	sshrl.u32 s19, $0x3;
	[sflag:s28] =	ssyncadd.s32 $0xFFFFFB00  }
0xb3: {  	[hbm:s9], [sflag:s4] =	dma.local [spmem:s25], $0x500  }
0xb4: {  	_ =	swait.ge [sflag:s28], $0x500  }
0xb5: {  	s3 =	sadd.s32 $0x1, s3;
	[sflag:s28] =	ssyncset.done $0x0  }
0xb6: {  	p1 =	sne.s32 s3, s23;
	s5 =	sshrl.u32 @!p0 s20, $0x3;
	[sflag:s28] =	ssyncadd.s32 $0xFFFFFB00  }
0xb7: {  	[hbm:s10], [sflag:s4] =	dma.local @!p0 [spmem:s5], $0x500  }
.Ltmp2:
0xb8: {  	_ = 	snop;
	(pc) =	sbr.rel @p1 .LBB2_1-.Ltmp2, $4  }
0xb9: {  	s4 =	simm.s32 @!p0 $0x3  }
0xba: {  	_ =	swait.ge @!p0 [sflag:s4], $0x500  }
0xbb: {  	[sflag:s4] =	ssyncset.done @!p0 $0x0  }
0xbc: {  	[sflag:s4] =	ssyncadd.s32 @!p0 $0xFFFFFB00  }
0xbd: {  	_ =	sfence.sel $0x180000  }
0xbe: {  	[bflag:$0x0] =	sbarrier.arrive $0xFFFF  }
0xbf: {  	_ =	strace $0x9000004A  }
0xc0: {  	s0 =	stileid.u32;
	[bflag:$0x2] =	sbarrier.arrive $0xFFFF  }
0xc1: {  	p0 =	sne.s32 s0, $0x0;
	s0 =	rddreg [dreg:$0x2]  }
0xc2: {  	s0 =	sadd.s32 @!p0 $0x100000, s0  }
0xc3: {  	[sflag:s0] =	ssyncadd.tile.s32 @!p0 $0x1;
	_ =	shalt  }
.Lfunc_end2:
_tile_overlayer_lowered:
.L_overlay_start_2:
0xc4: {  	(tag) =	ssettag $0x2  }
0xc5: {  	s0 =	rddreg [dreg:$0x0];
	s2 =	stileid.u32  }
0xc6: {  	s1 =	rddreg [dreg:$0x1];
	p0 =	sne.s32 s2, $0x0  }
0xc7: {  	s3 =	rddreg [dreg:$0x2];
	[bflag:$0x3] =	sbarrier.arrive $0xFFFF;
	s2 =	simm.s32 @!p0 $0x1C03  }
0xc8: {  	[timem:s3], [sflag:s2] =	dma.local @!p0 [hbm:s0], s1  }
0xc9: {  	s0 =	simm.s32 @!p0 $0x3  }
0xca: {  	_ =	swait.ge @!p0 [sflag:s0], s1  }
0xcb: {  	s1 =	ssub.s32 @!p0 $0x0, s1;
	[sflag:s0] =	ssyncset.done @!p0 $0x0  }
0xcc: {  	[sflag:s0] =	ssyncadd.s32 @!p0 s1  }
0xcd: {  	[bflag:$0x3] =	sbarrier.arrive $0xFFFF  }
0xce: {  	_ =	shalt  }

// kernel: kernel.7.cloned.1.call-start
scs
__scs_entry_jumppad:
0x0: {  	(pc) =	sbr.rel $0x88, $3  }
0x1: {  	(tag) =	ssettag $0x0;
	lr =	simm.s32 $0x1  }
0x2: {  	[smem:$0x3F96] =	sst lr;
	_ =	strace $0xD0000000  }
0x3: {  	_ = 	snop  }
0x4: {  	_ = 	snop  }
0x5: {  	_ = 	snop  }
0x6: {  	_ = 	snop  }
0x7: {  	_ = 	snop  }
__scs_overlays_trampoline_lowered:
0x8: {  	[smem:$0x3FA5] =	sst s0  }
0x9: {  	[smem:$0x3FA6] =	sst s1  }
0xa: {  	[smem:$0x3FA7] =	sst s2  }
0xb: {  	[smem:$0x3FA8] =	sst s3  }
0xc: {  	[smem:$0x3FA9] =	sst s4  }
0xd: {  	[smem:$0x3FAA] =	sst s5  }
0xe: {  	[smem:$0x3FAB] =	sst s6  }
0xf: {  	[smem:$0x3FAC] =	sst s7  }
0x10: {  	[smem:$0x3FAD] =	sst s8  }
0x11: {  	[smem:$0x3FAE] =	sst s9;
	s0 =	simm.s32 @!p0 $0x0  }
0x12: {  	s1 =	sld [smem:$0x3F94];
	s0 =	simm.s32 @p0 $0x1  }
0x13: {  	[smem:$0x3FAF] =	sst s0;
	s0 =	simm.s32 @!p1 $0x0  }
0x14: {  	s2 =	sld [smem:$0x3F93];
	s0 =	simm.s32 @p1 $0x1  }
0x15: {  	[smem:$0x3FB0] =	sst s0;
	s0 =	simm.s32 @!p2 $0x0  }
0x16: {  	s3 =	sld [smem:$0x3FDB];
	s0 =	simm.s32 @p2 $0x1  }
0x17: {  	s4 =	simm.s32 $0x1BF5;
	[smem:$0x3FB2] =	sst s0  }
0x18: {  	s0 =	sld [smem:$0x3F95];
	_ =	swait.ge [sflag:s4], $0x0  }
0x19: {  	s7 =	sld [smem:$0x3F96]  }
0x1a: {  	s8 =	sadd.s32 $0xFFFFE003, lr  }
0x1b: {  	s9 =	sadd.s32 $0xFFFFFEF7, lr;
	s5 =	simm.s32 $0xFFFFFFFF;
	p2 =	slt.u32 s8, $0xFFFFF086  }
0x1c: {  	p1 =	slt.u32 s9, $0xF7A;
	s5 =	simm.s32 @!p2 $0x0  }
0x1d: {  	s5 =	simm.s32 @p1 $0x1;
	p0 =	seq.s32 s7, s2  }
0x1e: {  	s7 =	smul.u32 @!p0 $0xF7A, s2;
	p2 =	seq.s32 @!p0 s5, $0x0  }
0x1f: {  	s9 =	smul.u32 $0xF7A, s1;
	s8 =	simm.s32 @!p0 $0x1BF5;
	p2 =	por !p2, p0  }
0x20: {  	[sflag:s8] =	ssyncset.s32 @!p0 $0xFFFFF086;
	s6 =	sadd.s32 @!p0 s3, s7;
	s7 =	simm.s32 @!p0 $0x108  }
0x21: {  	s3 =	sadd.s32 s3, s9;
	s6 =	sadd.s32 @!p0 $0x88, s6;
	s7 =	simm.s32 @p2 $0x1082  }
0x22: {  	[simem:s7], [sflag:s8] =	dma.local @!p0 [hbm:s6], $0xF7A  }
0x23: {  	s9 =	sor.u32 $0xD0000000, s2;
	s6 =	simm.s32 $0x108;
	_ =	swait.ge @!p0 [sflag:s8], $0x0  }
0x24: {  	s3 =	sadd.s32 $0x88, s3;
	s6 =	simm.s32 @!p1 $0x1082;
	[sflag:s4] =	ssyncset.s32 $0xFFFFF086  }
0x25: {  	[simem:s6], [sflag:s4] =	dma.local [hbm:s3], $0xF7A  }
0x26: {  	[smem:$0x3F96] =	sst s1;
	(tag) =	ssettag s2;
	_ =	strace s9  }
0x27: {  	s1 =	sld [smem:$0x3FA6]  }
0x28: {  	s2 =	sld [smem:$0x3FA7]  }
0x29: {  	s4 =	sld [smem:$0x3FA9]  }
0x2a: {  	p0 =	seq.s32 s5, $0x0;
	s5 =	sld [smem:$0x3FAA]  }
0x2b: {  	s6 =	sld [smem:$0x3FAB]  }
0x2c: {  	s7 =	sld [smem:$0x3FAC]  }
0x2d: {  	s3 =	simm.s32 $0x108;
	s8 =	sld [smem:$0x3FAD]  }
0x2e: {  	s3 =	simm.s32 @!p0 $0x1082;
	s9 =	sld [smem:$0x3FAE]  }
0x2f: {  	lr =	sadd.s32 s0, s3;
	s0 =	sld [smem:$0x3FA5]  }
0x30: {  	s3 =	sld [smem:$0x3FA8]  }
0x31: {  	[smem:$0x3FB1] =	sst s10  }
0x32: {  	s10 =	sld [smem:$0x3FAF];
	_ =	sdelay $0x3  }
0x33: {  	p0 =	seq.s32 s10, $0x1;
	s10 =	sld [smem:$0x3FB1];
	_ =	sdelay $0x3  }
0x34: {  	[smem:$0x3FB1] =	sst s10  }
0x35: {  	s10 =	sld [smem:$0x3FB0];
	_ =	sdelay $0x3  }
0x36: {  	p1 =	seq.s32 s10, $0x1;
	s10 =	sld [smem:$0x3FB1];
	_ =	sdelay $0x3  }
0x37: {  	[smem:$0x3FB1] =	sst s10  }
0x38: {  	s10 =	sld [smem:$0x3FB2]  }
0x39: {  	_ = 	snop;
	(pc) =	sbr.ind lr, $3  }
0x3a: {  	_ = 	snop  }
0x3b: {  	_ = 	snop  }
0x3c: {  	p2 =	seq.s32 s10, $0x1;
	s10 =	sld [smem:$0x3FB1]  }
0x3d: {  	_ =	shalt  }
0x3e: {  	_ =	shalt  }
0x3f: {  	_ =	shalt  }
0x40: {  	_ =	shalt  }
0x41: {  	_ =	shalt  }
0x42: {  	_ =	shalt  }
0x43: {  	_ =	shalt  }
0x44: {  	_ =	shalt  }
0x45: {  	_ =	shalt  }
0x46: {  	_ =	shalt  }
0x47: {  	_ =	shalt  }
0x48: {  	_ =	shalt  }
0x49: {  	_ =	shalt  }
0x4a: {  	_ =	shalt  }
0x4b: {  	_ =	shalt  }
0x4c: {  	_ =	shalt  }
0x4d: {  	_ =	shalt  }
0x4e: {  	_ =	shalt  }
0x4f: {  	_ =	shalt  }
0x50: {  	_ =	shalt  }
0x51: {  	_ =	shalt  }
0x52: {  	_ =	shalt  }
0x53: {  	_ =	shalt  }
0x54: {  	_ =	shalt  }
0x55: {  	_ =	shalt  }
0x56: {  	_ =	shalt  }
0x57: {  	_ =	shalt  }
0x58: {  	_ =	shalt  }
0x59: {  	_ =	shalt  }
0x5a: {  	_ =	shalt  }
0x5b: {  	_ =	shalt  }
0x5c: {  	_ =	shalt  }
0x5d: {  	_ =	shalt  }
0x5e: {  	_ =	shalt  }
0x5f: {  	_ =	shalt  }
0x60: {  	_ =	shalt  }
0x61: {  	_ =	shalt  }
0x62: {  	_ =	shalt  }
0x63: {  	_ =	shalt  }
0x64: {  	_ =	shalt  }
0x65: {  	_ =	shalt  }
0x66: {  	_ =	shalt  }
0x67: {  	_ =	shalt  }
0x68: {  	_ =	shalt  }
0x69: {  	_ =	shalt  }
0x6a: {  	_ =	shalt  }
0x6b: {  	_ =	shalt  }
0x6c: {  	_ =	shalt  }
0x6d: {  	_ =	shalt  }
0x6e: {  	_ =	shalt  }
0x6f: {  	_ =	shalt  }
0x70: {  	_ =	shalt  }
0x71: {  	_ =	shalt  }
0x72: {  	_ =	shalt  }
0x73: {  	_ =	shalt  }
0x74: {  	_ =	shalt  }
0x75: {  	_ =	shalt  }
0x76: {  	_ =	shalt  }
0x77: {  	_ =	shalt  }
0x78: {  	_ =	shalt  }
0x79: {  	_ =	shalt  }
0x7a: {  	_ =	shalt  }
0x7b: {  	_ =	shalt  }
0x7c: {  	_ =	shalt  }
0x7d: {  	_ =	shalt  }
0x7e: {  	_ =	shalt  }
0x7f: {  	_ =	shalt  }
0x80: {  	_ =	shalt  }
0x81: {  	_ =	shalt  }
0x82: {  	_ =	shalt  }
0x83: {  	_ =	shalt  }
0x84: {  	_ =	shalt  }
0x85: {  	_ =	shalt  }
0x86: {  	_ =	shalt  }
0x87: {  	_ =	shalt  }
.Lfunc_end0:
.L_simem_size_0:
called_computation_lowered:
.L_overlay_start_0:
0x88: {  	s2 =	sld [smem:$0x3FD9]  }
0x89: {  	s3 =	sld [smem:$0x3FFE];
	_ =	sdelay $0x1  }
0x8a: {  	s1 =	srdreg.scid  }
0x8b: {  	s0 =	sand.u32 $0x1, s1  }
0x8c: {  	s17 =	sshll.u32 s0, $0xA;
	s2 =	sadd.s32 s3, s2  }
0x8d: {  	s2 =	sadd.s32 s2, s17  }
0x8e: {  	[smem:$0x3FBD] =	sst s2  }
0x8f: {  	_ = 	snop  }
0x90: {  	s2 =	sld [smem:$0x3FD0];
	(tm) =	ssettm $0x1  }
0x91: {  	s18 =	sld [smem:$0x3FFB];
	_ =	sdelay $0x3  }
0x92: {  	_ =	strace s18  }
0x93: {  	s3 =	sld [smem:$0x3FFC];
	_ =	sdelay $0x3  }
0x94: {  	_ =	strace s3  }
0x95: {  	s3 =	sld [smem:$0x3FFD];
	_ =	sdelay $0x3  }
0x96: {  	_ =	strace s3  }
0x97: {  	_ =	strace $0x8FFFFFFF  }
0x98: {  	s19 =	sld [smem:$0x3FDB];
	_ =	sdelay $0x1  }
0x99: {  	s4 =	simm.s32 $_scs_section_size  }
0x9a: {  	s5 =	simm.s32 $_size__tile_overlayer_lowered;
	s6 =	simm.s32 $_tile_overlayer_lowered  }
0x9b: {  	s22 =	simm.s32 $0x1BFF;
	s21 =	sshll.u32 s6, $0x1;
	s3 =	sadd.s32 s4, s19  }
0x9c: {  	s7 =	simm.s32 $0x0;
	s20 =	sshll.u32 s5, $0x1;
	s5 =	sadd.s32 s21, s3  }
0x9d: {  	[timem:s7], [sflag:s22] =	dma.local [hbm:s5], s20  }
0x9e: {  	_ =	swait.ge [sflag:s22], s20  }
0x9f: {  	s4 =	ssub.s32 $0x0, s20;
	[sflag:s22] =	ssyncset.done $0x0  }
0xa0: {  	[sflag:s22] =	ssyncadd.s32 s4;
	_ =	sdelay $0x1  }
0xa1: {  	s23 =	simm.s32 $0x1B8B  }
0xa2: {  	_ =	swait.ge [sflag:s23], $0x1  }
0xa3: {  	[sflag:s23] =	ssyncset.done $0x0  }
0xa4: {  	s25 =	simm.s32 $0x1B8E;
	s24 =	sld [smem:$0x3FFE];
	[sflag:s23] =	ssyncadd.s32 $0xFFFFFFFF  }
0xa5: {  	s26 =	simm.s32 $execute0_lowered;
	[smem:$0x3FD2] =	sst s25  }
0xa6: {  	s5 =	sshll.u32 s26, $0x1;
	_ =	strace $0x80000046;
	[dreg:$0x1] =	wrdreg $0xFFFFFFFF  }
0xa7: {  	s28 =	simm.s32 $_size_execute0_lowered;
	s3 =	sadd.s32 s3, s5;
	[dreg:$0x0] =	wrdreg $0x0  }
0xa8: {  	s5 =	sshll.u32 s28, $0x1;
	[dreg:$0x2] =	wrdreg s3  }
0xa9: {  	[dreg:$0x3] =	wrdreg s5  }
0xaa: {  	[dreg:$0x4] =	wrdreg $0xC0  }
0xab: {  	_ =	task [dreg:s7], $0x5FFFF  }
0xac: {  	[dreg:$0x1] =	wrdreg $0xFFFFFFFF  }
0xad: {  	[dreg:$0x0] =	wrdreg $0x60  }
0xae: {  	[dreg:$0x2] =	wrdreg s2  }
0xaf: {  	[dreg:$0x3] =	wrdreg s24  }
0xb0: {  	[dreg:$0x4] =	wrdreg $0x9  }
0xb1: {  	_ =	task.clear_ibuf [dreg:s7], $0x5FFFF;
	_ =	strace $0x90000046  }
0xb2: {  	s29 =	simm.s32 $0x9;
	_ =	strace $0x80000048  }
0xb3: {  	_ =	swait.ge [sflag:s29], $0x1  }
0xb4: {  	[sflag:s29] =	ssyncadd.s32 $0xFFFFFFFF  }
0xb5: {  	_ =	strace $0x90000048  }
0xb6: {  	_ =	sfence  }
0xb7: {  	s30 =	sld [smem:$0x0];
	_ =	sdelay $0x2  }
0xb8: {  	s31 =	sshll.u32 s1, $0xD;
	s1 =	sshrl.u32 s1, $0x2  }
0xb9: {  	s3 =	sand.u32 $0x4000, s31;
	s1 =	sadd.s32 s1, s30  }
0xba: {  	s0 =	sor.u32 s3, s0;
	s1 =	sshll.u32 s1, $0x11  }
0xbb: {  	s0 =	sor.u32 s1, s0  }
0xbc: {  	s0 =	sadd.s32 $0x8F2B, s0  }
0xbd: {  	[sflag:s0] =	ssyncadd.remote.s32 $0x1  }
0xbe: {  	_ =	sfence.sel $0xFFFF  }
0xbf: {  	[dreg:$0x0] =	wrdreg $0xFFFFFFFF;
	(pc) =	sbr.abs _section_cstart, $3  }
0xc0: {  	[dreg:$0x1] =	wrdreg $0xFFFFFFFF  }
0xc1: {  	_ =	task.clear_ibuf [dreg:s7], $0x2FFFF;
	_ =	strace $0x9FFFFFFF  }
0xc2: {  	(tm) =	ssettm $0x7FFFFFFF  }
0xc3: {  	_ =	shalt  }
tec
execute0_lowered:
.L_overlay_start_1:
0x0: {  	(tag) =	ssettag $0x1  }
0x1: {  	s2 =	rddreg [dreg:$0x0];
	s1 =	srdreg.scid  }
0x2: {  	s0 =	stileid.u32;
	s6 =	rddreg [dreg:$0x1];
	s3 =	simm.s32 $0x0  }
0x3: {  	s12 =	simm.s32 $0x5;
	s13 =	simm.s32 $0x2780;
	s14 =	simm.s32 $0x50  }
0x4: {  	s15 =	simm.s32 $0x4F00;
	s16 =	simm.s32 $0x7700;
	s17 =	simm.s32 $0xC700  }
0x5: {  	s18 =	simm.s32 $0x27D0;
	s19 =	simm.s32 $0xEF00;
	s20 =	simm.s32 $0x1  }
0x6: {  	s21 =	simm.s32 $0x9F00;
	s22 =	simm.s32 $0x2;
	s23 =	simm.s32 $0x11700  }
0x7: {  	s24 =	simm.s32 $0x3;
	s1 =	sand.u32 $0x1, s1;
	s4 =	sshll.u32 s0, $0x1  }
0x8: {  	s25 =	simm.s32 $0x4;
	s26 =	simm.s32 $0x0;
	s5 =	sor.u32 s1, s4  }
0x9: {  	[smem:$0x7FF] =	sst s3;
	s1 =	ssub.s32 $0x2, s1;
	s4 =	smul.u32 $0x2710, s5  }
0xa: {  	_ =	strace $0x80000047;
	s8 =	smul.u32 $0x138800, s5;
	s31 =	sshrl.u32 s1, $0x1  }
0xb: {  	s5 =	sadd.s32 $0x15800, s6;
	s1 =	ssub.s32 s1, s31;
	s7 =	sshrl.u32 s4, $0x3  }
0xc: {  	s10 =	sshrl.u32 s8, $0x3;
	s9 =	sadd.s32 s7, s6;
	s6 =	sadd.s32 $0x3CA00, s6  }
0xd: {  	s11 =	smax.u32 s1, $0x1;
	s7 =	sadd.s32 $0xBA00, s9;
	s10 =	sadd.s32 s6, s10  }
0xe: {  	s8 =	sadd.s32 $0x1C00, s9;
	s9 =	sadd.s32 $0x50, s4;
	s10 =	sadd.s32 $0x26C00, s10  }
.LBB2_1:
0xf: {  	[tilespmem:s3], [sflag:$0x5] =	stream.linear.gather [hbm4b:s7+s3], $0x2710, $0x38;
	[tilespmem:$0x13F00] =	vst v63  }
0x10: {  	_ =	swait.ge [sflag:s12], $0x2710  }
0x11: {  	[sflag:s12] =	ssyncset.done $0x0  }
0x12: {  	[sflag:s12] =	ssyncadd.s32 $0xFFFFD8F0  }
0x13: {  	[tilespmem:s13], [sflag:$0x5] =	stream.linear.gather [hbm4b:s8+s3], $0x2710, $0x38;
	[tilespmem:$0x13F00] =	vst v63  }
0x14: {  	_ =	swait.ge [sflag:s12], $0x2710  }
0x15: {  	[sflag:s12] =	ssyncset.done $0x0  }
0x16: {  	[sflag:s12] =	ssyncadd.s32 $0xFFFFD8F0  }
0x17: {  	[tilespmem:s15], [sflag:$0x1] =	stream.indirect.gather [hbm4b:s2+s14], $0x80, s3, s14, $0xb8;
	[tilespmem:$0x13F00] =	vst v63  }
0x18: {  	_ = 	snop  }
0x19: {  	[tilespmem:s16], [sflag:$0x1] =	stream.indirect.gather [hbm4b:s5+s14], $0x80, s13, s14, $0xb8;
	[tilespmem:$0x13F00] =	vst v63  }
0x1a: {  	_ = 	snop  }
0x1b: {  	[tilespmem:s17], [sflag:$0x2] =	stream.indirect.gather [hbm4b:s2+s14], $0x80, s14, s14, $0xb8;
	[tilespmem:$0x13F00] =	vst v63  }
0x1c: {  	s28 =	simm.s32 $0x0  }
0x1d: {  	[tilespmem:s19], [sflag:$0x2] =	stream.indirect.gather [hbm4b:s5+s14], $0x80, s18, s14, $0xb8;
	[tilespmem:$0x13F00] =	vst v63  }
.LBB2_2:
0x1e: {  	_ =	swait.ge [sflag:s20], $0x2800  }
0x1f: {  	[sflag:s20] =	ssyncset.done $0x0  }
0x20: {  	[sflag:s20] =	ssyncadd.s32 $0xFFFFD800  }
0x21: {  	_ =	swait.ge [sflag:s20], $0x2800  }
0x22: {  	p0 =	seq.s32 s28, $0x0;
	[sflag:s20] =	ssyncset.done $0x0  }
0x23: {  	s1 =	simm.s32 @!p0 $0x3;
	[sflag:s20] =	ssyncadd.s32 $0xFFFFD800  }
0x24: {  	_ =	swait.ge @!p0 [sflag:s1], $0x2800  }
0x25: {  	[sflag:s1] =	ssyncset.done @!p0 $0x0  }
0x26: {  	s29 =	simm.s32 $0x0;
	[sflag:s1] =	ssyncadd.s32 @!p0 $0xFFFFD800  }
0x27: {  	v0 =	vld [tilespmem:s29+$0x4F70]  }
0x28: {  	v1 =	vld [tilespmem:s29+$0x7770]  }
0x29: {  	v2 =	vld [tilespmem:s29+$0x4F00]  }
0x2a: {  	v3 =	vld [tilespmem:s29+$0x7700]  }
0x2b: {  	v4 =	vld [tilespmem:s29+$0x4F10]  }
0x2c: {  	v5 =	vld [tilespmem:s29+$0x7710]  }
0x2d: {  	v6 =	vld [tilespmem:s29+$0x4F20]  }
0x2e: {  	v7 =	vld [tilespmem:s29+$0x4F30]  }
0x2f: {  	v0 =	vadd.f32 v1, v0;
	v1 =	vld [tilespmem:s29+$0x7720]  }
0x30: {  	v8 =	vld [tilespmem:s29+$0x7730]  }
0x31: {  	v9 =	vld [tilespmem:s29+$0x7740];
	v2 =	vadd.f32 v3, v2  }
0x32: {  	[tilespmem:s29+$0x9F70] =	vst v0;
	v0 =	vadd.f32 v5, v4;
	v5 =	vld [tilespmem:s29+$0x4F40]  }
0x33: {  	v3 =	vld [tilespmem:s29+$0x7750];
	[tilespmem:s29+$0x9F00] =	vst v2  }
0x34: {  	v2 =	vld [tilespmem:s29+$0x4F50];
	[tilespmem:s29+$0x9F10] =	vst v0;
	v0 =	vadd.f32 v1, v6  }
0x35: {  	v4 =	vld [tilespmem:s29+$0x7760];
	v6 =	vadd.f32 v8, v7  }
0x36: {  	s30 =	simm.s32 $0x80;
	[tilespmem:s29+$0x9F20] =	vst v0;
	v0 =	vld [tilespmem:s29+$0x4F60]  }
0x37: {  	s31 =	simm.s32 $0x400;
	v5 =	vadd.f32 v9, v5;
	v1 =	vld [tilespmem:s30+$0x4F70];
	[tilespmem:s29+$0x9F30] =	vst v6  }
.LBB2_3:
0x38: {  	p1 =	sne.s32 s31, $0x9E00;
	v6 =	vld [tilespmem:s30+$0x7770]  }
0x39: {  	v7 =	vld [tilespmem:s30+$0x4F00];
	[tilespmem:s29+$0x9F40] =	vst v5;
	v2 =	vadd.f32 v3, v2  }
0x3a: {  	v3 =	vld [tilespmem:s30+$0x7700]  }
0x3b: {  	v5 =	vld [tilespmem:s30+$0x4F10];
	[tilespmem:s29+$0x9F50] =	vst v2;
	v0 =	vadd.f32 v4, v0  }
0x3c: {  	v2 =	vld [tilespmem:s30+$0x7710]  }
0x3d: {  	v4 =	vld [tilespmem:s30+$0x4F20];
	v1 =	vadd.f32 v6, v1;
	[tilespmem:s29+$0x9F60] =	vst v0;
	s29 =	smov.u32 s30  }
0x3e: {  	v0 =	vld [tilespmem:s29+$0x7720]  }
0x3f: {  	v3 =	vadd.f32 v3, v7;
	v6 =	vld [tilespmem:s29+$0x4F30];
	[tilespmem:s29+$0x9F70] =	vst v1  }
0x40: {  	v1 =	vld [tilespmem:s29+$0x7730]  }
0x41: {  	[tilespmem:s29+$0x9F00] =	vst v3;
	v2 =	vadd.f32 v2, v5;
	v5 =	vld [tilespmem:s29+$0x4F40]  }
0x42: {  	v7 =	vld [tilespmem:s29+$0x7740]  }
.Ltmp0:
0x43: {  	[tilespmem:s29+$0x9F10] =	vst v2;
	v0 =	vadd.f32 v0, v4;
	v2 =	vld [tilespmem:s29+$0x4F50];
	(pc) =	sbr.rel @p1 .LBB2_3-.Ltmp0, $4  }
0x44: {  	v3 =	vld [tilespmem:s29+$0x7750]  }
0x45: {  	[tilespmem:s29+$0x9F20] =	vst v0;
	v6 =	vadd.f32 v1, v6;
	v0 =	vld [tilespmem:s29+$0x4F60]  }
0x46: {  	s30 =	sshra.s32 s31, $0x2;
	v4 =	vld [tilespmem:s29+$0x7760]  }
0x47: {  	s31 =	sadd.s32 $0x200, s31;
	v1 =	vld [tilespmem:s30+$0x4F70];
	[tilespmem:s29+$0x9F30] =	vst v6;
	v5 =	vadd.f32 v7, v5  }
0x48: {  	v6 =	vld [tilespmem:s30+$0x7770]  }
0x49: {  	v7 =	vld [tilespmem:s30+$0x4F00];
	[tilespmem:s29+$0x9F40] =	vst v5;
	v2 =	vadd.f32 v3, v2  }
0x4a: {  	v3 =	vld [tilespmem:s30+$0x7700]  }
0x4b: {  	v5 =	vld [tilespmem:s30+$0x4F10];
	[tilespmem:s29+$0x9F50] =	vst v2;
	v0 =	vadd.f32 v4, v0  }
0x4c: {  	v2 =	vld [tilespmem:s30+$0x7710]  }
0x4d: {  	v4 =	vld [tilespmem:s30+$0x4F20];
	[tilespmem:s29+$0x9F60] =	vst v0  }
0x4e: {  	v0 =	vadd.f32 v6, v1;
	v1 =	vld [tilespmem:s30+$0x7720]  }
0x4f: {  	v6 =	vld [tilespmem:s30+$0x4F30]  }
0x50: {  	v3 =	vadd.f32 v3, v7;
	[tilespmem:s30+$0x9F70] =	vst v0;
	v0 =	vld [tilespmem:s30+$0x7730]  }
0x51: {  	v7 =	vld [tilespmem:s30+$0x7760]  }
0x52: {  	[tilespmem:s30+$0x9F00] =	vst v3;
	v2 =	vadd.f32 v2, v5;
	v3 =	vld [tilespmem:s30+$0x4F40]  }
0x53: {  	v5 =	vld [tilespmem:s30+$0x7740]  }
0x54: {  	[tilespmem:s30+$0x9F10] =	vst v2;
	v1 =	vadd.f32 v1, v4;
	v2 =	vld [tilespmem:s30+$0x4F50]  }
0x55: {  	v4 =	vld [tilespmem:s30+$0x7750]  }
0x56: {  	[tilespmem:s30+$0x9F20] =	vst v1;
	v1 =	vld [tilespmem:s30+$0x4F60];
	_ =	sdelay $0x1  }
0x57: {  	v0 =	vadd.f32 v0, v6  }
0x58: {  	s29 =	smul.u32 $0xA0, s28;
	v3 =	vadd.f32 v5, v3  }
0x59: {  	[tilespmem:s30+$0x9F30] =	vst v0;
	v0 =	vadd.f32 v4, v2  }
0x5a: {  	s1 =	sadd.s32 s4, s29;
	[tilespmem:s30+$0x9F40] =	vst v3;
	v1 =	vadd.f32 v7, v1  }
0x5b: {  	s1 =	sshll.u32 s1, $0x4;
	[tilespmem:s30+$0x9F50] =	vst v0  }
0x5c: {  	s1 =	sadd.s32 s6, s1;
	[tilespmem:s30+$0x9F60] =	vst v1  }
0x5d: {  	[hbm4b:s1+s3] =	stream.linear.scatter [tilespmem:s21], [sflag:$0x3], $0x2800, $0x38;
	[tilespmem:$0x13F00] =	vst v63  }
0x5e: {  	s1 =	sadd.s32 $0xA0, s29  }
0x5f: {  	[tilespmem:s15], [sflag:$0x1] =	stream.indirect.gather [hbm4b:s2+s14], $0x80, s1, s14, $0xb8;
	[tilespmem:$0x13F00] =	vst v63  }
0x60: {  	s1 =	sadd.s32 $0x2820, s29  }
0x61: {  	[tilespmem:s16], [sflag:$0x1] =	stream.indirect.gather [hbm4b:s5+s14], $0x80, s1, s14, $0xb8;
	[tilespmem:$0x13F00] =	vst v63  }
0x62: {  	_ =	swait.ge [sflag:s22], $0x2800  }
0x63: {  	[sflag:s22] =	ssyncset.done $0x0  }
0x64: {  	[sflag:s22] =	ssyncadd.s32 $0xFFFFD800  }
0x65: {  	_ =	swait.ge [sflag:s22], $0x2800  }
0x66: {  	[sflag:s22] =	ssyncset.done $0x0  }
0x67: {  	s1 =	simm.s32 @!p0 $0x4;
	[sflag:s22] =	ssyncadd.s32 $0xFFFFD800  }
0x68: {  	_ =	swait.ge @!p0 [sflag:s1], $0x2800  }
0x69: {  	[sflag:s1] =	ssyncset.done @!p0 $0x0  }
0x6a: {  	s30 =	simm.s32 $0x0;
	[sflag:s1] =	ssyncadd.s32 @!p0 $0xFFFFD800  }
0x6b: {  	v0 =	vld [tilespmem:s30+$0xC770]  }
0x6c: {  	v1 =	vld [tilespmem:s30+$0xEF70]  }
0x6d: {  	v2 =	vld [tilespmem:s30+$0xC700]  }
0x6e: {  	v3 =	vld [tilespmem:s30+$0xEF00]  }
0x6f: {  	v4 =	vld [tilespmem:s30+$0xC710]  }
0x70: {  	v5 =	vld [tilespmem:s30+$0xEF10]  }
0x71: {  	v6 =	vld [tilespmem:s30+$0xC720]  }
0x72: {  	v7 =	vld [tilespmem:s30+$0xC730]  }
0x73: {  	v0 =	vadd.f32 v1, v0;
	v1 =	vld [tilespmem:s30+$0xEF20]  }
0x74: {  	v8 =	vld [tilespmem:s30+$0xEF30]  }
0x75: {  	v9 =	vld [tilespmem:s30+$0xEF40];
	v2 =	vadd.f32 v3, v2  }
0x76: {  	[tilespmem:s30+$0x11770] =	vst v0;
	v0 =	vadd.f32 v5, v4;
	v5 =	vld [tilespmem:s30+$0xC740]  }
0x77: {  	v3 =	vld [tilespmem:s30+$0xEF50];
	[tilespmem:s30+$0x11700] =	vst v2  }
0x78: {  	v2 =	vld [tilespmem:s30+$0xC750];
	[tilespmem:s30+$0x11710] =	vst v0;
	v0 =	vadd.f32 v1, v6  }
0x79: {  	v4 =	vld [tilespmem:s30+$0xEF60];
	v6 =	vadd.f32 v8, v7  }
0x7a: {  	s31 =	simm.s32 $0x80;
	[tilespmem:s30+$0x11720] =	vst v0;
	v0 =	vld [tilespmem:s30+$0xC760]  }
0x7b: {  	s1 =	simm.s32 $0x400;
	v5 =	vadd.f32 v9, v5;
	v1 =	vld [tilespmem:s31+$0xC770];
	[tilespmem:s30+$0x11730] =	vst v6  }
.LBB2_5:
0x7c: {  	p0 =	sne.s32 s1, $0x9E00;
	v6 =	vld [tilespmem:s31+$0xEF70]  }
0x7d: {  	v7 =	vld [tilespmem:s31+$0xC700];
	[tilespmem:s30+$0x11740] =	vst v5;
	v2 =	vadd.f32 v3, v2  }
0x7e: {  	v3 =	vld [tilespmem:s31+$0xEF00]  }
0x7f: {  	v5 =	vld [tilespmem:s31+$0xC710];
	[tilespmem:s30+$0x11750] =	vst v2;
	v0 =	vadd.f32 v4, v0  }
0x80: {  	v2 =	vld [tilespmem:s31+$0xEF10]  }
0x81: {  	v4 =	vld [tilespmem:s31+$0xC720];
	v1 =	vadd.f32 v6, v1;
	[tilespmem:s30+$0x11760] =	vst v0;
	s30 =	smov.u32 s31  }
0x82: {  	v0 =	vld [tilespmem:s30+$0xEF20]  }
0x83: {  	v3 =	vadd.f32 v3, v7;
	v6 =	vld [tilespmem:s30+$0xC730];
	[tilespmem:s30+$0x11770] =	vst v1  }
0x84: {  	v1 =	vld [tilespmem:s30+$0xEF30]  }
0x85: {  	[tilespmem:s30+$0x11700] =	vst v3;
	v2 =	vadd.f32 v2, v5;
	v5 =	vld [tilespmem:s30+$0xC740]  }
0x86: {  	v7 =	vld [tilespmem:s30+$0xEF40]  }
.Ltmp1:
0x87: {  	[tilespmem:s30+$0x11710] =	vst v2;
	v0 =	vadd.f32 v0, v4;
	v2 =	vld [tilespmem:s30+$0xC750];
	(pc) =	sbr.rel @p0 .LBB2_5-.Ltmp1, $4  }
0x88: {  	v3 =	vld [tilespmem:s30+$0xEF50]  }
0x89: {  	[tilespmem:s30+$0x11720] =	vst v0;
	v6 =	vadd.f32 v1, v6;
	v0 =	vld [tilespmem:s30+$0xC760]  }
0x8a: {  	s31 =	sshra.s32 s1, $0x2;
	v4 =	vld [tilespmem:s30+$0xEF60]  }
0x8b: {  	s1 =	sadd.s32 $0x200, s1;
	v1 =	vld [tilespmem:s31+$0xC770];
	[tilespmem:s30+$0x11730] =	vst v6;
	v5 =	vadd.f32 v7, v5  }
0x8c: {  	v6 =	vld [tilespmem:s31+$0xEF70]  }
0x8d: {  	v7 =	vld [tilespmem:s31+$0xC700];
	[tilespmem:s30+$0x11740] =	vst v5;
	v2 =	vadd.f32 v3, v2  }
0x8e: {  	v51 =	vld [tilespmem:s31+$0xEF00]  }
0x8f: {  	v5 =	vld [tilespmem:s31+$0xC710];
	[tilespmem:s30+$0x11750] =	vst v2;
	v0 =	vadd.f32 v4, v0  }
0x90: {  	v2 =	vld [tilespmem:s31+$0xEF10]  }
0x91: {  	v52 =	vld [tilespmem:s31+$0xC720];
	[tilespmem:s30+$0x11760] =	vst v0  }
0x92: {  	v54 =	vld [tilespmem:s31+$0xEF20]  }
0x93: {  	v55 =	vld [tilespmem:s31+$0xC730]  }
0x94: {  	v56 =	vld [tilespmem:s31+$0xEF30]  }
0x95: {  	v57 =	vld [tilespmem:s31+$0xC740]  }
0x96: {  	v58 =	vld [tilespmem:s31+$0xEF40]  }
0x97: {  	v59 =	vld [tilespmem:s31+$0xC750]  }
0x98: {  	v53 =	vadd.f32 v6, v1;
	v60 =	vld [tilespmem:s31+$0xEF50]  }
0x99: {  	v61 =	vld [tilespmem:s31+$0xC760];
	v3 =	vadd.f32 v51, v7  }
0x9a: {  	v62 =	vld [tilespmem:s31+$0xEF60];
	[tilespmem:s31+$0x11770] =	vst v53;
	v2 =	vadd.f32 v2, v5  }
0x9b: {  	[tilespmem:s31+$0x11700] =	vst v3;
	v1 =	vadd.f32 v54, v52  }
0x9c: {  	[tilespmem:s31+$0x11710] =	vst v2;
	v0 =	vadd.f32 v56, v55  }
0x9d: {  	p0 =	seq.s32 s28, $0x3D;
	v3 =	vadd.f32 v58, v57;
	[tilespmem:s31+$0x11720] =	vst v1  }
.Ltmp2:
0x9e: {  	v63 =	vadd.f32 v60, v59;
	[tilespmem:s31+$0x11730] =	vst v0;
	(pc) =	sbr.rel @p0 .LBB2_8-.Ltmp2, $4  }
0x9f: {  	s1 =	sadd.s32 s29, s9;
	[tilespmem:s31+$0x11740] =	vst v3;
	v1 =	vadd.f32 v62, v61  }
0xa0: {  	s1 =	sshll.u32 s1, $0x4;
	[tilespmem:s31+$0x11750] =	vst v63  }
0xa1: {  	s1 =	sadd.s32 s6, s1;
	[tilespmem:s31+$0x11760] =	vst v1  }
0xa2: {  	[hbm4b:s1+s3] =	stream.linear.scatter [tilespmem:s23], [sflag:$0x4], $0x2800, $0x38;
	[tilespmem:$0x13F00] =	vst v63  }
.Ltmp3:
0xa3: {  	(pc) =	sbr.rel .LBB2_2-.Ltmp3, $4  }
0xa4: {  	s1 =	sadd.s32 $0xF0, s29  }
0xa5: {  	[tilespmem:s17], [sflag:$0x2] =	stream.indirect.gather [hbm4b:s2+s14], $0x80, s1, s14, $0xb8;
	[tilespmem:$0x13F00] =	vst v63  }
0xa6: {  	s31 =	sadd.s32 $0x2870, s29;
	s28 =	sadd.s32 $0x1, s28  }
0xa7: {  	[tilespmem:s19], [sflag:$0x2] =	stream.indirect.gather [hbm4b:s5+s14], $0x80, s31, s14, $0xb8;
	[tilespmem:$0x13F00] =	vst v63  }
.LBB2_8:
0xa8: {  	_ =	swait.ge [sflag:s20], $0x2800  }
0xa9: {  	[sflag:s20] =	ssyncset.done $0x0  }
0xaa: {  	[sflag:s20] =	ssyncadd.s32 $0xFFFFD800  }
0xab: {  	_ =	swait.ge [sflag:s20], $0x2800  }
0xac: {  	[sflag:s20] =	ssyncset.done $0x0  }
0xad: {  	[sflag:s20] =	ssyncadd.s32 $0xFFFFD800  }
0xae: {  	_ =	swait.ge [sflag:s24], $0x2800  }
0xaf: {  	[sflag:s24] =	ssyncset.done $0x0  }
0xb0: {  	s28 =	simm.s32 $0x0;
	[sflag:s24] =	ssyncadd.s32 $0xFFFFD800  }
0xb1: {  	v0 =	vld [tilespmem:s28+$0x4F70]  }
0xb2: {  	v1 =	vld [tilespmem:s28+$0x7770]  }
0xb3: {  	v2 =	vld [tilespmem:s28+$0x4F00]  }
0xb4: {  	v3 =	vld [tilespmem:s28+$0x7700]  }
0xb5: {  	v4 =	vld [tilespmem:s28+$0x4F10]  }
0xb6: {  	v5 =	vld [tilespmem:s28+$0x7710]  }
0xb7: {  	v6 =	vld [tilespmem:s28+$0x4F20]  }
0xb8: {  	v7 =	vld [tilespmem:s28+$0x4F30]  }
0xb9: {  	v0 =	vadd.f32 v1, v0;
	v1 =	vld [tilespmem:s28+$0x7720]  }
0xba: {  	v8 =	vld [tilespmem:s28+$0x7730]  }
0xbb: {  	v9 =	vld [tilespmem:s28+$0x7740];
	v2 =	vadd.f32 v3, v2  }
0xbc: {  	[tilespmem:s28+$0x9F70] =	vst v0;
	v0 =	vadd.f32 v5, v4;
	v5 =	vld [tilespmem:s28+$0x4F40]  }
0xbd: {  	v3 =	vld [tilespmem:s28+$0x7750];
	[tilespmem:s28+$0x9F00] =	vst v2  }
0xbe: {  	v2 =	vld [tilespmem:s28+$0x4F50];
	[tilespmem:s28+$0x9F10] =	vst v0;
	v0 =	vadd.f32 v1, v6  }
0xbf: {  	v4 =	vld [tilespmem:s28+$0x7760];
	v6 =	vadd.f32 v8, v7  }
0xc0: {  	s29 =	simm.s32 $0x80;
	[tilespmem:s28+$0x9F20] =	vst v0;
	v0 =	vld [tilespmem:s28+$0x4F60]  }
0xc1: {  	s1 =	simm.s32 $0x400;
	v5 =	vadd.f32 v9, v5;
	v1 =	vld [tilespmem:s29+$0x4F70];
	[tilespmem:s28+$0x9F30] =	vst v6  }
.LBB2_9:
0xc2: {  	p0 =	sne.s32 s1, $0x9E00;
	v6 =	vld [tilespmem:s29+$0x7770]  }
0xc3: {  	v7 =	vld [tilespmem:s29+$0x4F00];
	[tilespmem:s28+$0x9F40] =	vst v5;
	v2 =	vadd.f32 v3, v2  }
0xc4: {  	v3 =	vld [tilespmem:s29+$0x7700]  }
0xc5: {  	v5 =	vld [tilespmem:s29+$0x4F10];
	[tilespmem:s28+$0x9F50] =	vst v2;
	v0 =	vadd.f32 v4, v0  }
0xc6: {  	v2 =	vld [tilespmem:s29+$0x7710]  }
0xc7: {  	v4 =	vld [tilespmem:s29+$0x4F20];
	v1 =	vadd.f32 v6, v1;
	[tilespmem:s28+$0x9F60] =	vst v0;
	s28 =	smov.u32 s29  }
0xc8: {  	v0 =	vld [tilespmem:s28+$0x7720]  }
0xc9: {  	v3 =	vadd.f32 v3, v7;
	v6 =	vld [tilespmem:s28+$0x4F30];
	[tilespmem:s28+$0x9F70] =	vst v1  }
0xca: {  	v1 =	vld [tilespmem:s28+$0x7730]  }
0xcb: {  	[tilespmem:s28+$0x9F00] =	vst v3;
	v2 =	vadd.f32 v2, v5;
	v5 =	vld [tilespmem:s28+$0x4F40]  }
0xcc: {  	v7 =	vld [tilespmem:s28+$0x7740]  }
.Ltmp4:
0xcd: {  	[tilespmem:s28+$0x9F10] =	vst v2;
	v0 =	vadd.f32 v0, v4;
	v2 =	vld [tilespmem:s28+$0x4F50];
	(pc) =	sbr.rel @p0 .LBB2_9-.Ltmp4, $4  }
0xce: {  	v3 =	vld [tilespmem:s28+$0x7750]  }
0xcf: {  	[tilespmem:s28+$0x9F20] =	vst v0;
	v6 =	vadd.f32 v1, v6;
	v0 =	vld [tilespmem:s28+$0x4F60]  }
0xd0: {  	s29 =	sshra.s32 s1, $0x2;
	v4 =	vld [tilespmem:s28+$0x7760]  }
0xd1: {  	s1 =	sadd.s32 $0x200, s1;
	v1 =	vld [tilespmem:s29+$0x4F70];
	[tilespmem:s28+$0x9F30] =	vst v6;
	v5 =	vadd.f32 v7, v5  }
0xd2: {  	v6 =	vld [tilespmem:s29+$0x7770]  }
0xd3: {  	v7 =	vld [tilespmem:s29+$0x4F00];
	[tilespmem:s28+$0x9F40] =	vst v5;
	v2 =	vadd.f32 v3, v2  }
0xd4: {  	v51 =	vld [tilespmem:s29+$0x7700]  }
0xd5: {  	v5 =	vld [tilespmem:s29+$0x4F10];
	[tilespmem:s28+$0x9F50] =	vst v2;
	v0 =	vadd.f32 v4, v0  }
0xd6: {  	v2 =	vld [tilespmem:s29+$0x7710]  }
0xd7: {  	v52 =	vld [tilespmem:s29+$0x4F20];
	[tilespmem:s28+$0x9F60] =	vst v0  }
0xd8: {  	v54 =	vld [tilespmem:s29+$0x7720]  }
0xd9: {  	v55 =	vld [tilespmem:s29+$0x4F30]  }
0xda: {  	v56 =	vld [tilespmem:s29+$0x7730]  }
0xdb: {  	v57 =	vld [tilespmem:s29+$0x4F40]  }
0xdc: {  	v58 =	vld [tilespmem:s29+$0x7740]  }
0xdd: {  	v59 =	vld [tilespmem:s29+$0x4F50]  }
0xde: {  	v53 =	vadd.f32 v6, v1;
	v60 =	vld [tilespmem:s29+$0x7750]  }
0xdf: {  	v61 =	vld [tilespmem:s29+$0x4F60];
	v3 =	vadd.f32 v51, v7  }
0xe0: {  	v62 =	vld [tilespmem:s29+$0x7760];
	[tilespmem:s29+$0x9F70] =	vst v53;
	v2 =	vadd.f32 v2, v5  }
0xe1: {  	[tilespmem:s29+$0x9F00] =	vst v3;
	v1 =	vadd.f32 v54, v52  }
0xe2: {  	[tilespmem:s29+$0x9F10] =	vst v2;
	v0 =	vadd.f32 v56, v55  }
0xe3: {  	v3 =	vadd.f32 v58, v57;
	[tilespmem:s29+$0x9F20] =	vst v1  }
0xe4: {  	v63 =	vadd.f32 v60, v59;
	[tilespmem:s29+$0x9F30] =	vst v0  }
0xe5: {  	[tilespmem:s29+$0x9F40] =	vst v3;
	v1 =	vadd.f32 v62, v61  }
0xe6: {  	[tilespmem:s29+$0x9F50] =	vst v63  }
0xe7: {  	s26 =	sadd.s32 $0x1, s26;
	[tilespmem:s29+$0x9F60] =	vst v1  }
0xe8: {  	[hbm4b:s10+s3] =	stream.linear.scatter [tilespmem:s21], [sflag:$0x3], $0x2800, $0x38;
	[tilespmem:$0x13F00] =	vst v63  }
0xe9: {  	p0 =	sne.s32 s26, s11;
	_ =	swait.ge [sflag:s24], $0x2800  }
.Ltmp5:
0xea: {  	[sflag:s24] =	ssyncset.done $0x0;
	(pc) =	sbr.rel @p0 .LBB2_1-.Ltmp5, $4  }
0xeb: {  	[sflag:s24] =	ssyncadd.s32 $0xFFFFD800  }
0xec: {  	_ =	swait.ge [sflag:s25], $0x2800  }
0xed: {  	[sflag:s25] =	ssyncset.done $0x0  }
0xee: {  	[sflag:s25] =	ssyncadd.s32 $0xFFFFD800  }
0xef: {  	_ =	sfence.sel $0x180000  }
0xf0: {  	[bflag:$0x0] =	sbarrier.arrive $0xFFFF  }
0xf1: {  	_ =	strace $0x90000047  }
0xf2: {  	[bflag:$0x2] =	sbarrier.arrive $0xFFFF  }
0xf3: {  	p0 =	sne.s32 s0, $0x0;
	s0 =	rddreg [dreg:$0x2]  }
0xf4: {  	s0 =	sadd.s32 @!p0 $0x100000, s0  }
0xf5: {  	[sflag:s0] =	ssyncadd.tile.s32 @!p0 $0x1;
	_ =	shalt  }
.Lfunc_end2:
_tile_overlayer_lowered:
.L_overlay_start_2:
0xf6: {  	(tag) =	ssettag $0x2  }
0xf7: {  	s0 =	rddreg [dreg:$0x0];
	s2 =	stileid.u32  }
0xf8: {  	s1 =	rddreg [dreg:$0x1];
	p0 =	sne.s32 s2, $0x0  }
0xf9: {  	s3 =	rddreg [dreg:$0x2];
	[bflag:$0x3] =	sbarrier.arrive $0xFFFF;
	s2 =	simm.s32 @!p0 $0x1C05  }
0xfa: {  	[timem:s3], [sflag:s2] =	dma.local @!p0 [hbm:s0], s1  }
0xfb: {  	s0 =	simm.s32 @!p0 $0x5  }
0xfc: {  	_ =	swait.ge @!p0 [sflag:s0], s1  }
0xfd: {  	s1 =	ssub.s32 @!p0 $0x0, s1;
	[sflag:s0] =	ssyncset.done @!p0 $0x0  }
0xfe: {  	[sflag:s0] =	ssyncadd.s32 @!p0 s1  }
0xff: {  	[bflag:$0x3] =	sbarrier.arrive $0xFFFF  }
0x100: {  	_ =	shalt  }

</sc_bundles>
